<compile_context>
chip_gen: v7x
topology: tpu7x:2x2x1
jax: 0.10.2.dev20260603
libtpu: 0.0.44.dev20260713+nightly
codegen_flags: <defaults>
</compile_context>

<pallas_src>
import math

import jax
import jax.numpy as jnp
import numpy as np
from jax.experimental import pallas as pl
from jax.experimental.pallas import tpu as pltpu

IMG = 512
STEPS = (4, 8, 16, 32)
SCALES = (0.04, 0.1, 0.26, 0.45, 0.58)
FHW = (128, 64, 32, 16)
CH = (96, 192, 384, 768)
NPIX = tuple(f * f for f in FHW)
PBLK = 8192
NBLK_ALL = 3
NPIX_ALL = 21760
NB = 4
NCONF = NB * 2
NLOC = NB * 4
NCH = NCONF + NLOC


def _anchor_const_table() -> np.ndarray:
    tab = np.zeros((4, NB * 14), dtype=np.float32)
    for i in range(4):
        s, sn = SCALES[i], SCALES[i + 1]
        wh = [
            (s, s),
            (math.sqrt(s * sn), math.sqrt(s * sn)),
            (s * math.sqrt(2.0), s / math.sqrt(2.0)),
            (s * math.sqrt(0.5), s / math.sqrt(0.5)),
        ]
        for k in range(NB):
            base = 14 * k
            tab[i, base + 8] = wh[k][0]
            tab[i, base + 9] = wh[k][1]
            tab[i, base + 10:base + 14] = (0.1, 0.1, 0.2, 0.2)
    return tab


_CONST56 = _anchor_const_table()


def _conv_t(feat_ref, wt, btab_t, i, r0, r1):
    fw = FHW[i]
    fh = fw
    npx = (r1 - r0) * fw
    ulo, uhi = max(0, r0 - 1), min(fh, r1 + 1)
    nq = (uhi - ulo) * fw
    off = (r0 - ulo) * fw

    x = feat_ref[0, ulo:uhi].reshape(nq, CH[i]).astype(jnp.bfloat16)
    tt = jax.lax.dot_general(wt, x, (((1,), (1,)), ((), ())),
                             preferred_element_type=jnp.float32)

    lane = jax.lax.broadcasted_iota(jnp.int32, (1, npx), 1)
    xc = jnp.bitwise_and(lane, fw - 1)
    acc = jnp.broadcast_to(btab_t[0:NCH, i:i + 1], (NCH, npx))
    for ky in range(3):
        for kx in range(3):
            q = ky * 3 + kx
            s = (ky - 1) * fw + (kx - 1)
            st = off + s
            rows = tt[q * NCH:(q + 1) * NCH, :]
            if 0 <= st and st + npx <= nq:
                term = rows[:, st:st + npx] if st else rows[:, 0:npx]
            else:
                term = jnp.roll(rows, -st, axis=1)[:, 0:npx]
            mask = None
            if kx == 0:
                mask = xc > 0
            if kx == 2:
                mask = xc < fw - 1
            if ky == 0 and r0 == 0:
                m2 = lane >= fw
                mask = m2 if mask is None else (mask & m2)
            if ky == 2 and r1 == fh:
                m2 = lane < npx - fw
                mask = m2 if mask is None else (mask & m2)
            if mask is not None:
                term = jnp.where(mask, term, 0.0)
            acc = acc + term
    return acc


def _assemble_t(acc, ctab_t, i, p_base):
    npx = acc.shape[1]
    fw = FHW[i]
    conf = acc[0:NCONF, :]
    row = jax.lax.broadcasted_iota(jnp.int32, (NCONF, npx), 0)
    swapped = jnp.where(jnp.bitwise_and(row, 1) == 0,
                        jnp.roll(conf, -1, axis=0),
                        jnp.roll(conf, 1, axis=0))
    p8 = jax.nn.sigmoid(conf - swapped)
    lane = jax.lax.broadcasted_iota(jnp.int32, (1, npx), 1)
    xcol = jnp.bitwise_and(lane, fw - 1)
    yrow = jax.lax.shift_right_logical(p_base + lane, int(math.log2(fw)))
    scale = float(STEPS[i]) / float(IMG)
    cx = (xcol.astype(jnp.float32) + 0.5) * scale
    cy = (yrow.astype(jnp.float32) + 0.5) * scale
    pieces = []
    for k in range(NB):
        b = 14 * k
        pieces.append(p8[2 * k:2 * k + 2, :])
        pieces.append(acc[NCONF + 4 * k:NCONF + 4 * k + 4, :])
        pieces.append(cx)
        pieces.append(cy)
        pieces.append(jnp.broadcast_to(ctab_t[b + 8:b + 14, i:i + 1],
                                       (6, npx)))
    return jnp.concatenate(pieces, axis=0).T


def _ssd_head_kernel(f0, f1, f2, f3, wt0, wt1, wt2, wt3, btab_t, ctab_t,
                     out_ref):
    j = pl.program_id(1)
    feats = (f0, f1, f2, f3)
    wts = (wt0, wt1, wt2, wt3)
    bt = btab_t[...]
    ct = ctab_t[...]

    for c in range(2):
        @pl.when(j == c)
        def _l0(c=c):
            acc = _conv_t(feats[0], wts[0][...], bt, 0, c * 64, (c + 1) * 64)
            out_ref[0] = _assemble_t(acc, ct, 0, c * PBLK)

    @pl.when(j == 2)
    def _l123():
        acc1 = _conv_t(feats[1], wts[1][...], bt, 1, 0, FHW[1])
        out_ref[0, 0:NPIX[1]] = _assemble_t(acc1, ct, 1, 0)
        o2 = NPIX[1]
        acc2 = _conv_t(feats[2], wts[2][...], bt, 2, 0, FHW[2])
        out_ref[0, o2:o2 + NPIX[2]] = _assemble_t(acc2, ct, 2, 0)
        o3 = o2 + NPIX[2]
        acc3 = _conv_t(feats[3], wts[3][...], bt, 3, 0, FHW[3])
        out_ref[0, o3:o3 + NPIX[3]] = _assemble_t(acc3, ct, 3, 0)


def kernel(feat0, feat1, feat2, feat3, Wc0, bc0, Wl0, bl0, Wc1, bc1, Wl1,
           bl1, Wc2, bc2, Wl2, bl2, Wc3, bc3, Wl3, bl3):
    B = feat0.shape[0]
    feats = (feat0, feat1, feat2, feat3)
    Wc = (Wc0, Wc1, Wc2, Wc3)
    bc = (bc0, bc1, bc2, bc3)
    Wl = (Wl0, Wl1, Wl2, Wl3)
    bl = (bl0, bl1, bl2, bl3)

    w_all = []
    for i in range(4):
        blocks = []
        for ky in range(3):
            for kx in range(3):
                blocks.append(Wc[i][ky, kx])
                blocks.append(Wl[i][ky, kx])
        w_all.append(
            jnp.concatenate(blocks, axis=-1).T.astype(jnp.bfloat16))

    btab_t = jnp.zeros((32, 8), jnp.float32)
    for i in range(4):
        btab_t = btab_t.at[0:NCONF, i].set(bc[i])
        btab_t = btab_t.at[NCONF:NCH, i].set(bl[i])
    ctab_t = jnp.zeros((64, 8), jnp.float32)
    ctab_t = ctab_t.at[0:NB * 14, 0:4].set(jnp.asarray(_CONST56).T)

    last_use = (1, 2, 2, 2)

    def feat_spec(i):
        lu = last_use[i]
        return pl.BlockSpec(
            (1, FHW[i], FHW[i], CH[i]),
            lambda b, j, lu=lu: (jnp.minimum(b + (j > lu).astype(jnp.int32),
                                             B - 1), 0, 0, 0))

    def whole(arr):
        return pl.BlockSpec(arr.shape, lambda b, j: (0,) * arr.ndim)

    out = pl.pallas_call(
        _ssd_head_kernel,
        grid=(B, NBLK_ALL),
        in_specs=[feat_spec(i) for i in range(4)]
        + [whole(w) for w in w_all] + [whole(btab_t), whole(ctab_t)],
        out_specs=pl.BlockSpec((1, PBLK, NB * 14), lambda b, j: (b, j, 0)),
        out_shape=jax.ShapeDtypeStruct((B, NPIX_ALL, NB * 14), jnp.float32),
        compiler_params=pltpu.CompilerParams(
            dimension_semantics=("arbitrary", "arbitrary"),
            vmem_limit_bytes=128 * 1024 * 1024,
        ),
    )(*feats, *w_all, btab_t, ctab_t)
    return out.reshape(B, NPIX_ALL * NB, 14)

# --- scband reference (transcript-rebuilt; emitter-appended) ---
"""Pipeline reference for scband-ssdhead-45724221833513 (READ-ONLY COPY).

The authoritative reference and input builder live on the scoring server;
editing this copy changes nothing except your own understanding.
"""

import jax, jax.numpy as jnp
import numpy as np

IMG_H = 512; IMG_W = 512
STEPS = [4, 8, 16, 32]
SCALES = [0.04, 0.1, 0.26, 0.45, 0.58]
OFFSETS = [0.5, 0.5, 0.5, 0.5]
ASPECT_RATIOS = [[1.0, 2.0, 0.5], [1.0, 2.0, 0.5], [1.0, 2.0, 0.5], [1.0, 2.0, 0.5]]
VARIANCES = [0.1, 0.1, 0.2, 0.2]
TWO_BOXES_FOR_AR1 = True
N_CLASSES = 2  # n_classes(1) + background
CHANNELS = [96, 192, 384, 768]
BATCH = 8

def _n_boxes(ar):
    return len(ar) + 1 if (1.0 in ar and TWO_BOXES_FOR_AR1) else len(ar)

def _make_anchors(fh, fw, step, offset, this_scale, next_scale, ar):
    size = min(IMG_H, IMG_W)
    wh = []
    for a in ar:
        if a == 1.0:
            wh.append((this_scale * size, this_scale * size))
            if TWO_BOXES_FOR_AR1:
                s = np.sqrt(this_scale * next_scale) * size
                wh.append((s, s))
        else:
            wh.append((this_scale * size * np.sqrt(a), this_scale * size / np.sqrt(a)))
    wh = np.array(wh, dtype=np.float32)
    nb = wh.shape[0]
    cy = np.linspace(offset * step, (offset + fh - 1) * step, fh).astype(np.float32)
    cx = np.linspace(offset * step, (offset + fw - 1) * step, fw).astype(np.float32)
    cxg, cyg = np.meshgrid(cx, cy)
    boxes = np.zeros((fh, fw, nb, 4), dtype=np.float32)
    boxes[..., 0] = cxg[..., None] / IMG_W
    boxes[..., 1] = cyg[..., None] / IMG_H
    boxes[..., 2] = wh[:, 0] / IMG_W
    boxes[..., 3] = wh[:, 1] / IMG_H
    var = np.tile(np.array(VARIANCES, dtype=np.float32), (fh, fw, nb, 1))
    return np.concatenate([boxes, var], axis=-1).reshape(-1, 8)

ANCHORS = []
for _i in range(4):
    _fh = IMG_H // STEPS[_i]; _fw = IMG_W // STEPS[_i]
    ANCHORS.append(_make_anchors(_fh, _fw, STEPS[_i], OFFSETS[_i], SCALES[_i], SCALES[_i + 1], ASPECT_RATIOS[_i]))

def _conv_same(x, w, b):
    y = jax.lax.conv_general_dilated(x, w, window_strides=(1, 1), padding='SAME', dimension_numbers=('NHWC', 'HWIO', 'NHWC'))
    return y + b

def setup_inputs(seed: int = 0):
    key = jax.random.key(seed)
    ks = jax.random.split(key, 24)
    inp = {}
    ki = 0
    for i in range(4):
        fh = IMG_H // STEPS[i]; fw = IMG_W // STEPS[i]
        inp['feat%d' % i] = jax.random.normal(ks[ki], (BATCH, fh, fw, CHANNELS[i]), dtype=jnp.float32); ki += 1
    for i in range(4):
        nb = _n_boxes(ASPECT_RATIOS[i])
        inp['Wc%d' % i] = jax.random.normal(ks[ki], (3, 3, CHANNELS[i], nb * N_CLASSES), dtype=jnp.float32) * 0.05; ki += 1
        inp['bc%d' % i] = jnp.zeros((nb * N_CLASSES,), dtype=jnp.float32)
        inp['Wl%d' % i] = jax.random.normal(ks[ki], (3, 3, CHANNELS[i], nb * 4), dtype=jnp.float32) * 0.05; ki += 1
        inp['bl%d' % i] = jnp.zeros((nb * 4,), dtype=jnp.float32)
    return inp

def reference(feat0, feat1, feat2, feat3, Wc0, bc0, Wl0, bl0, Wc1, bc1, Wl1, bl1, Wc2, bc2, Wl2, bl2, Wc3, bc3, Wl3, bl3):
    feats = [feat0, feat1, feat2, feat3]
    Wc = [Wc0, Wc1, Wc2, Wc3]; bc = [bc0, bc1, bc2, bc3]
    Wl = [Wl0, Wl1, Wl2, Wl3]; bl = [bl0, bl1, bl2, bl3]
    B = feats[0].shape[0]
    confs = []; locs = []; anchors = []
    for i in range(4):
        c = _conv_same(feats[i], Wc[i], bc[i])
        l = _conv_same(feats[i], Wl[i], bl[i])
        confs.append(c.reshape(B, -1, N_CLASSES))
        locs.append(l.reshape(B, -1, 4))
        a = jnp.asarray(ANCHORS[i])
        anchors.append(jnp.broadcast_to(a[None, :, :], (B, a.shape[0], 8)))
    conf_all = jnp.concatenate(confs, axis=1)
    loc_all = jnp.concatenate(locs, axis=1)
    anchor_all = jnp.concatenate(anchors, axis=1)
    conf_soft = jax.nn.softmax(conf_all, axis=-1)
    predictions = jnp.concatenate([conf_soft, loc_all, anchor_all], axis=2)
    return predictions

if __name__ == "__main__":
    import jax
    _d = setup_inputs()
    print(jax.jit(kernel)(*tuple(_d.values())))

</pallas_src>

<mosaic_0001>
module attributes {stable_mosaic.version = 14 : i64} {
  func.func @_ssd_head_kernel(%arg0: i32, %arg1: i32, %arg2: memref<1x128x128x96xf32, #tpu.memory_space<vmem>>, %arg3: memref<1x64x64x192xf32, #tpu.memory_space<vmem>>, %arg4: memref<1x32x32x384xf32, #tpu.memory_space<vmem>>, %arg5: memref<1x16x16x768xf32, #tpu.memory_space<vmem>>, %arg6: memref<216x96xbf16, #tpu.memory_space<vmem>>, %arg7: memref<216x192xbf16, #tpu.memory_space<vmem>>, %arg8: memref<216x384xbf16, #tpu.memory_space<vmem>>, %arg9: memref<216x768xbf16, #tpu.memory_space<vmem>>, %arg10: memref<32x8xf32, #tpu.memory_space<vmem>>, %arg11: memref<64x8xf32, #tpu.memory_space<vmem>>, %arg12: memref<1x8192x56xf32, #tpu.memory_space<vmem>>) attributes {dimension_semantics = [#tpu.dimension_semantics<arbitrary>, #tpu.dimension_semantics<arbitrary>], iteration_bounds = array<i64: 8, 3>, scalar_prefetch = 0 : i64, scratch_operands = 0 : i64, tpu.core_type = #tpu.core_type<tc>, window_params = [{transform_indices = @transform_0, window_bounds = array<i64: 1, 128, 128, 96>}, {transform_indices = @transform_1, window_bounds = array<i64: 1, 64, 64, 192>}, {transform_indices = @transform_2, window_bounds = array<i64: 1, 32, 32, 384>}, {transform_indices = @transform_3, window_bounds = array<i64: 1, 16, 16, 768>}, {pipeline_mode = #tpu.pipeline_mode<synchronous>, transform_indices = @transform_4, window_bounds = array<i64: 216, 96>}, {pipeline_mode = #tpu.pipeline_mode<synchronous>, transform_indices = @transform_5, window_bounds = array<i64: 216, 192>}, {pipeline_mode = #tpu.pipeline_mode<synchronous>, transform_indices = @transform_6, window_bounds = array<i64: 216, 384>}, {pipeline_mode = #tpu.pipeline_mode<synchronous>, transform_indices = @transform_7, window_bounds = array<i64: 216, 768>}, {pipeline_mode = #tpu.pipeline_mode<synchronous>, transform_indices = @transform_8, window_bounds = array<i64: 32, 8>}, {pipeline_mode = #tpu.pipeline_mode<synchronous>, transform_indices = @transform_9, window_bounds = array<i64: 64, 8>}, {transform_indices = @transform_10, window_bounds = array<i64: 1, 8192, 56>}]} {
    %get3A = arith.constant 0 : index
    %get3A_0 = arith.constant 0 : index
    %get3A_1 = vector.load %arg10[%get3A, %get3A_0] : memref<32x8xf32, #tpu.memory_space<vmem>>, vector<32x8xf32>
    %get3A_2 = arith.constant 0 : index
    %get3A_3 = arith.constant 0 : index
    %get3A_4 = vector.load %arg11[%get3A_2, %get3A_3] : memref<64x8xf32, #tpu.memory_space<vmem>>, vector<64x8xf32>
    %eq3A = arith.constant 0 : i32
    %eq3A_5 = arith.cmpi eq, %arg1, %eq3A : i32
    %convert_element_type3A = arith.extui %eq3A_5 : i1 to i32
    %cond3A = arith.constant 0 : i32
    %cond3A_6 = arith.cmpi ne, %convert_element_type3A, %cond3A : i32
    scf.if %cond3A_6 {
      %get3A_17 = arith.constant 0 : index
      %get3A_18 = arith.constant 0 : index
      %get3A_19 = vector.load %arg6[%get3A_17, %get3A_18] : memref<216x96xbf16, #tpu.memory_space<vmem>>, vector<216x96xbf16>
      %get3A_20 = arith.constant 0 : index
      %get3A_21 = arith.constant 0 : index
      %get3A_22 = arith.constant 0 : index
      %get3A_23 = arith.constant 0 : index
      %get3A_24 = vector.load %arg2[%get3A_20, %get3A_21, %get3A_22, %get3A_23] : memref<1x128x128x96xf32, #tpu.memory_space<vmem>>, vector<1x65x128x96xf32>
      %get3A_25 = vector.shape_cast %get3A_24 : vector<1x65x128x96xf32> to vector<65x128x96xf32>
      %reshape3A = vector.shape_cast %get3A_25 : vector<65x128x96xf32> to vector<8320x96xf32>
      %convert_element_type3A_26 = arith.truncf %reshape3A : vector<8320x96xf32> to vector<8320x96xbf16>
      %dot_general3A = arith.constant dense<0.000000e+00> : vector<216x8320xf32>
      %dot_general3A_27 = tpu.matmul %get3A_19, %convert_element_type3A_26, %dot_general3A {dimension_numbers = #tpu.dot_dimension_numbers<[1], [1], [0], [0], [0, 0, 1, 0], [], []>, transpose_lhs_hint = false} : vector<216x96xbf16>, vector<8320x96xbf16>, vector<216x8320xf32> -> vector<216x8320xf32>
      %iota3A = tpu.iota {dimensions = array<i32: 1>} : vector<1x8192xi32>
      %and3A = arith.constant 127 : i32
      %and3A_28 = vector.broadcast %and3A : i32 to vector<1x8192xi32>
      %and3A_29 = arith.andi %iota3A, %and3A_28 : vector<1x8192xi32>
      %slice3A = vector.extract_strided_slice %get3A_1 {offsets = [0, 0], sizes = [24, 1], strides = [1, 1]} : vector<32x8xf32> to vector<24x1xf32>
      %broadcast_in_dim3A = vector.shape_cast %slice3A : vector<24x1xf32> to vector<24x1xf32>
      %broadcast_in_dim3A_30 = vector.broadcast %broadcast_in_dim3A : vector<24x1xf32> to vector<24x8192xf32>
      %slice3A_31 = vector.extract_strided_slice %dot_general3A_27 {offsets = [0, 0], sizes = [24, 8320], strides = [1, 1]} : vector<216x8320xf32> to vector<24x8320xf32>
      %slice3A_32 = vector.extract_strided_slice %slice3A_31 {offsets = [0, 8191], sizes = [24, 129], strides = [1, 1]} : vector<24x8320xf32> to vector<24x129xf32>
      %slice3A_33 = vector.extract_strided_slice %slice3A_31 {offsets = [0, 0], sizes = [24, 8191], strides = [1, 1]} : vector<24x8320xf32> to vector<24x8191xf32>
      %concatenate3A = tpu.concatenate %slice3A_32, %slice3A_33 in 1 : vector<24x129xf32>, vector<24x8191xf32> -> vector<24x8320xf32>
      %slice3A_34 = vector.extract_strided_slice %concatenate3A {offsets = [0, 0], sizes = [24, 8192], strides = [1, 1]} : vector<24x8320xf32> to vector<24x8192xf32>
      %gt3A = arith.constant 0 : i32
      %gt3A_35 = vector.broadcast %gt3A : i32 to vector<1x8192xi32>
      %gt3A_36 = arith.cmpi sgt, %and3A_29, %gt3A_35 : vector<1x8192xi32>
      %ge3A = arith.constant 128 : i32
      %ge3A_37 = vector.broadcast %ge3A : i32 to vector<1x8192xi32>
      %ge3A_38 = arith.cmpi sge, %iota3A, %ge3A_37 : vector<1x8192xi32>
      %and3A_39 = arith.andi %gt3A_36, %ge3A_38 : vector<1x8192xi1>
      %jit3A = arith.constant 0.000000e+00 : f32
      %broadcast_in_dim3A_40 = vector.shape_cast %and3A_39 : vector<1x8192xi1> to vector<1x8192xi1>
      %broadcast_in_dim3A_41 = vector.broadcast %broadcast_in_dim3A_40 : vector<1x8192xi1> to vector<24x8192xi1>
      %broadcast_in_dim3A_42 = vector.broadcast %jit3A : f32 to vector<24x8192xf32>
      %select_n3A = arith.select %broadcast_in_dim3A_41, %slice3A_34, %broadcast_in_dim3A_42 : vector<24x8192xi1>, vector<24x8192xf32>
      %add3A = arith.addf %broadcast_in_dim3A_30, %select_n3A : vector<24x8192xf32>
      %slice3A_43 = vector.extract_strided_slice %dot_general3A_27 {offsets = [24, 0], sizes = [24, 8320], strides = [1, 1]} : vector<216x8320xf32> to vector<24x8320xf32>
      %slice3A_44 = vector.extract_strided_slice %slice3A_43 {offsets = [0, 8192], sizes = [24, 128], strides = [1, 1]} : vector<24x8320xf32> to vector<24x128xf32>
      %slice3A_45 = vector.extract_strided_slice %slice3A_43 {offsets = [0, 0], sizes = [24, 8192], strides = [1, 1]} : vector<24x8320xf32> to vector<24x8192xf32>
      %concatenate3A_46 = tpu.concatenate %slice3A_44, %slice3A_45 in 1 : vector<24x128xf32>, vector<24x8192xf32> -> vector<24x8320xf32>
      %slice3A_47 = vector.extract_strided_slice %concatenate3A_46 {offsets = [0, 0], sizes = [24, 8192], strides = [1, 1]} : vector<24x8320xf32> to vector<24x8192xf32>
      %ge3A_48 = arith.constant 128 : i32
      %ge3A_49 = vector.broadcast %ge3A_48 : i32 to vector<1x8192xi32>
      %ge3A_50 = arith.cmpi sge, %iota3A, %ge3A_49 : vector<1x8192xi32>
      %jit3A_51 = arith.constant 0.000000e+00 : f32
      %broadcast_in_dim3A_52 = vector.shape_cast %ge3A_50 : vector<1x8192xi1> to vector<1x8192xi1>
      %broadcast_in_dim3A_53 = vector.broadcast %broadcast_in_dim3A_52 : vector<1x8192xi1> to vector<24x8192xi1>
      %broadcast_in_dim3A_54 = vector.broadcast %jit3A_51 : f32 to vector<24x8192xf32>
      %select_n3A_55 = arith.select %broadcast_in_dim3A_53, %slice3A_47, %broadcast_in_dim3A_54 : vector<24x8192xi1>, vector<24x8192xf32>
      %add3A_56 = arith.addf %add3A, %select_n3A_55 : vector<24x8192xf32>
      %slice3A_57 = vector.extract_strided_slice %dot_general3A_27 {offsets = [48, 0], sizes = [24, 8320], strides = [1, 1]} : vector<216x8320xf32> to vector<24x8320xf32>
      %slice3A_58 = vector.extract_strided_slice %slice3A_57 {offsets = [0, 8193], sizes = [24, 127], strides = [1, 1]} : vector<24x8320xf32> to vector<24x127xf32>
      %slice3A_59 = vector.extract_strided_slice %slice3A_57 {offsets = [0, 0], sizes = [24, 8193], strides = [1, 1]} : vector<24x8320xf32> to vector<24x8193xf32>
      %concatenate3A_60 = tpu.concatenate %slice3A_58, %slice3A_59 in 1 : vector<24x127xf32>, vector<24x8193xf32> -> vector<24x8320xf32>
      %slice3A_61 = vector.extract_strided_slice %concatenate3A_60 {offsets = [0, 0], sizes = [24, 8192], strides = [1, 1]} : vector<24x8320xf32> to vector<24x8192xf32>
      %lt3A = arith.constant 127 : i32
      %lt3A_62 = vector.broadcast %lt3A : i32 to vector<1x8192xi32>
      %lt3A_63 = arith.cmpi slt, %and3A_29, %lt3A_62 : vector<1x8192xi32>
      %ge3A_64 = arith.constant 128 : i32
      %ge3A_65 = vector.broadcast %ge3A_64 : i32 to vector<1x8192xi32>
      %ge3A_66 = arith.cmpi sge, %iota3A, %ge3A_65 : vector<1x8192xi32>
      %and3A_67 = arith.andi %lt3A_63, %ge3A_66 : vector<1x8192xi1>
      %jit3A_68 = arith.constant 0.000000e+00 : f32
      %broadcast_in_dim3A_69 = vector.shape_cast %and3A_67 : vector<1x8192xi1> to vector<1x8192xi1>
      %broadcast_in_dim3A_70 = vector.broadcast %broadcast_in_dim3A_69 : vector<1x8192xi1> to vector<24x8192xi1>
      %broadcast_in_dim3A_71 = vector.broadcast %jit3A_68 : f32 to vector<24x8192xf32>
      %select_n3A_72 = arith.select %broadcast_in_dim3A_70, %slice3A_61, %broadcast_in_dim3A_71 : vector<24x8192xi1>, vector<24x8192xf32>
      %add3A_73 = arith.addf %add3A_56, %select_n3A_72 : vector<24x8192xf32>
      %slice3A_74 = vector.extract_strided_slice %dot_general3A_27 {offsets = [72, 0], sizes = [24, 8320], strides = [1, 1]} : vector<216x8320xf32> to vector<24x8320xf32>
      %slice3A_75 = vector.extract_strided_slice %slice3A_74 {offsets = [0, 8319], sizes = [24, 1], strides = [1, 1]} : vector<24x8320xf32> to vector<24x1xf32>
      %slice3A_76 = vector.extract_strided_slice %slice3A_74 {offsets = [0, 0], sizes = [24, 8319], strides = [1, 1]} : vector<24x8320xf32> to vector<24x8319xf32>
      %concatenate3A_77 = tpu.concatenate %slice3A_75, %slice3A_76 in 1 : vector<24x1xf32>, vector<24x8319xf32> -> vector<24x8320xf32>
      %slice3A_78 = vector.extract_strided_slice %concatenate3A_77 {offsets = [0, 0], sizes = [24, 8192], strides = [1, 1]} : vector<24x8320xf32> to vector<24x8192xf32>
      %gt3A_79 = arith.constant 0 : i32
      %gt3A_80 = vector.broadcast %gt3A_79 : i32 to vector<1x8192xi32>
      %gt3A_81 = arith.cmpi sgt, %and3A_29, %gt3A_80 : vector<1x8192xi32>
      %jit3A_82 = arith.constant 0.000000e+00 : f32
      %broadcast_in_dim3A_83 = vector.shape_cast %gt3A_81 : vector<1x8192xi1> to vector<1x8192xi1>
      %broadcast_in_dim3A_84 = vector.broadcast %broadcast_in_dim3A_83 : vector<1x8192xi1> to vector<24x8192xi1>
      %broadcast_in_dim3A_85 = vector.broadcast %jit3A_82 : f32 to vector<24x8192xf32>
      %select_n3A_86 = arith.select %broadcast_in_dim3A_84, %slice3A_78, %broadcast_in_dim3A_85 : vector<24x8192xi1>, vector<24x8192xf32>
      %add3A_87 = arith.addf %add3A_73, %select_n3A_86 : vector<24x8192xf32>
      %slice3A_88 = vector.extract_strided_slice %dot_general3A_27 {offsets = [96, 0], sizes = [24, 8320], strides = [1, 1]} : vector<216x8320xf32> to vector<24x8320xf32>
      %slice3A_89 = vector.extract_strided_slice %slice3A_88 {offsets = [0, 0], sizes = [24, 8192], strides = [1, 1]} : vector<24x8320xf32> to vector<24x8192xf32>
      %add3A_90 = arith.addf %add3A_87, %slice3A_89 : vector<24x8192xf32>
      %slice3A_91 = vector.extract_strided_slice %dot_general3A_27 {offsets = [120, 0], sizes = [24, 8320], strides = [1, 1]} : vector<216x8320xf32> to vector<24x8320xf32>
      %slice3A_92 = vector.extract_strided_slice %slice3A_91 {offsets = [0, 1], sizes = [24, 8192], strides = [1, 1]} : vector<24x8320xf32> to vector<24x8192xf32>
      %lt3A_93 = arith.constant 127 : i32
      %lt3A_94 = vector.broadcast %lt3A_93 : i32 to vector<1x8192xi32>
      %lt3A_95 = arith.cmpi slt, %and3A_29, %lt3A_94 : vector<1x8192xi32>
      %jit3A_96 = arith.constant 0.000000e+00 : f32
      %broadcast_in_dim3A_97 = vector.shape_cast %lt3A_95 : vector<1x8192xi1> to vector<1x8192xi1>
      %broadcast_in_dim3A_98 = vector.broadcast %broadcast_in_dim3A_97 : vector<1x8192xi1> to vector<24x8192xi1>
      %broadcast_in_dim3A_99 = vector.broadcast %jit3A_96 : f32 to vector<24x8192xf32>
      %select_n3A_100 = arith.select %broadcast_in_dim3A_98, %slice3A_92, %broadcast_in_dim3A_99 : vector<24x8192xi1>, vector<24x8192xf32>
      %add3A_101 = arith.addf %add3A_90, %select_n3A_100 : vector<24x8192xf32>
      %slice3A_102 = vector.extract_strided_slice %dot_general3A_27 {offsets = [144, 0], sizes = [24, 8320], strides = [1, 1]} : vector<216x8320xf32> to vector<24x8320xf32>
      %slice3A_103 = vector.extract_strided_slice %slice3A_102 {offsets = [0, 127], sizes = [24, 8192], strides = [1, 1]} : vector<24x8320xf32> to vector<24x8192xf32>
      %gt3A_104 = arith.constant 0 : i32
      %gt3A_105 = vector.broadcast %gt3A_104 : i32 to vector<1x8192xi32>
      %gt3A_106 = arith.cmpi sgt, %and3A_29, %gt3A_105 : vector<1x8192xi32>
      %jit3A_107 = arith.constant 0.000000e+00 : f32
      %broadcast_in_dim3A_108 = vector.shape_cast %gt3A_106 : vector<1x8192xi1> to vector<1x8192xi1>
      %broadcast_in_dim3A_109 = vector.broadcast %broadcast_in_dim3A_108 : vector<1x8192xi1> to vector<24x8192xi1>
      %broadcast_in_dim3A_110 = vector.broadcast %jit3A_107 : f32 to vector<24x8192xf32>
      %select_n3A_111 = arith.select %broadcast_in_dim3A_109, %slice3A_103, %broadcast_in_dim3A_110 : vector<24x8192xi1>, vector<24x8192xf32>
      %add3A_112 = arith.addf %add3A_101, %select_n3A_111 : vector<24x8192xf32>
      %slice3A_113 = vector.extract_strided_slice %dot_general3A_27 {offsets = [168, 0], sizes = [24, 8320], strides = [1, 1]} : vector<216x8320xf32> to vector<24x8320xf32>
      %slice3A_114 = vector.extract_strided_slice %slice3A_113 {offsets = [0, 128], sizes = [24, 8192], strides = [1, 1]} : vector<24x8320xf32> to vector<24x8192xf32>
      %add3A_115 = arith.addf %add3A_112, %slice3A_114 : vector<24x8192xf32>
      %slice3A_116 = vector.extract_strided_slice %dot_general3A_27 {offsets = [192, 0], sizes = [24, 8320], strides = [1, 1]} : vector<216x8320xf32> to vector<24x8320xf32>
      %slice3A_117 = vector.extract_strided_slice %slice3A_116 {offsets = [0, 129], sizes = [24, 8191], strides = [1, 1]} : vector<24x8320xf32> to vector<24x8191xf32>
      %slice3A_118 = vector.extract_strided_slice %slice3A_116 {offsets = [0, 0], sizes = [24, 129], strides = [1, 1]} : vector<24x8320xf32> to vector<24x129xf32>
      %concatenate3A_119 = tpu.concatenate %slice3A_117, %slice3A_118 in 1 : vector<24x8191xf32>, vector<24x129xf32> -> vector<24x8320xf32>
      %slice3A_120 = vector.extract_strided_slice %concatenate3A_119 {offsets = [0, 0], sizes = [24, 8192], strides = [1, 1]} : vector<24x8320xf32> to vector<24x8192xf32>
      %lt3A_121 = arith.constant 127 : i32
      %lt3A_122 = vector.broadcast %lt3A_121 : i32 to vector<1x8192xi32>
      %lt3A_123 = arith.cmpi slt, %and3A_29, %lt3A_122 : vector<1x8192xi32>
      %jit3A_124 = arith.constant 0.000000e+00 : f32
      %broadcast_in_dim3A_125 = vector.shape_cast %lt3A_123 : vector<1x8192xi1> to vector<1x8192xi1>
      %broadcast_in_dim3A_126 = vector.broadcast %broadcast_in_dim3A_125 : vector<1x8192xi1> to vector<24x8192xi1>
      %broadcast_in_dim3A_127 = vector.broadcast %jit3A_124 : f32 to vector<24x8192xf32>
      %select_n3A_128 = arith.select %broadcast_in_dim3A_126, %slice3A_120, %broadcast_in_dim3A_127 : vector<24x8192xi1>, vector<24x8192xf32>
      %add3A_129 = arith.addf %add3A_115, %select_n3A_128 : vector<24x8192xf32>
      %slice3A_130 = vector.extract_strided_slice %add3A_129 {offsets = [0, 0], sizes = [8, 8192], strides = [1, 1]} : vector<24x8192xf32> to vector<8x8192xf32>
      %iota3A_131 = tpu.iota {dimensions = array<i32: 0>} : vector<8x8192xi32>
      %and3A_132 = arith.constant 1 : i32
      %and3A_133 = vector.broadcast %and3A_132 : i32 to vector<8x8192xi32>
      %and3A_134 = arith.andi %iota3A_131, %and3A_133 : vector<8x8192xi32>
      %eq3A_135 = arith.constant 0 : i32
      %eq3A_136 = vector.broadcast %eq3A_135 : i32 to vector<8x8192xi32>
      %eq3A_137 = arith.cmpi eq, %and3A_134, %eq3A_136 : vector<8x8192xi32>
      %slice3A_138 = vector.extract_strided_slice %slice3A_130 {offsets = [1, 0], sizes = [7, 8192], strides = [1, 1]} : vector<8x8192xf32> to vector<7x8192xf32>
      %slice3A_139 = vector.extract_strided_slice %slice3A_130 {offsets = [0, 0], sizes = [1, 8192], strides = [1, 1]} : vector<8x8192xf32> to vector<1x8192xf32>
      %concatenate3A_140 = tpu.concatenate %slice3A_138, %slice3A_139 in 0 : vector<7x8192xf32>, vector<1x8192xf32> -> vector<8x8192xf32>
      %slice3A_141 = vector.extract_strided_slice %slice3A_130 {offsets = [7, 0], sizes = [1, 8192], strides = [1, 1]} : vector<8x8192xf32> to vector<1x8192xf32>
      %slice3A_142 = vector.extract_strided_slice %slice3A_130 {offsets = [0, 0], sizes = [7, 8192], strides = [1, 1]} : vector<8x8192xf32> to vector<7x8192xf32>
      %concatenate3A_143 = tpu.concatenate %slice3A_141, %slice3A_142 in 0 : vector<1x8192xf32>, vector<7x8192xf32> -> vector<8x8192xf32>
      %select_n3A_144 = arith.select %eq3A_137, %concatenate3A_140, %concatenate3A_143 : vector<8x8192xi1>, vector<8x8192xf32>
      %sub3A = arith.subf %slice3A_130, %select_n3A_144 : vector<8x8192xf32>
      %logistic3A = arith.negf %sub3A : vector<8x8192xf32>
      %logistic3A_145 = math.exp %logistic3A : vector<8x8192xf32>
      %logistic3A_146 = arith.constant 1.000000e+00 : f32
      %logistic3A_147 = vector.broadcast %logistic3A_146 : f32 to vector<8x8192xf32>
      %logistic3A_148 = arith.addf %logistic3A_147, %logistic3A_145 : vector<8x8192xf32>
      %logistic3A_149 = arith.divf %logistic3A_147, %logistic3A_148 : vector<8x8192xf32>
      %iota3A_150 = tpu.iota {dimensions = array<i32: 1>} : vector<1x8192xi32>
      %and3A_151 = arith.constant 127 : i32
      %and3A_152 = vector.broadcast %and3A_151 : i32 to vector<1x8192xi32>
      %and3A_153 = arith.andi %iota3A_150, %and3A_152 : vector<1x8192xi32>
      %add3A_154 = arith.constant 0 : i32
      %add3A_155 = vector.broadcast %add3A_154 : i32 to vector<1x8192xi32>
      %add3A_156 = arith.addi %add3A_155, %iota3A_150 : vector<1x8192xi32>
      %shift_right_logical3A = arith.constant 7 : i32
      %shift_right_logical3A_157 = vector.broadcast %shift_right_logical3A : i32 to vector<1x8192xi32>
      %shift_right_logical3A_158 = arith.shrui %add3A_156, %shift_right_logical3A_157 : vector<1x8192xi32>
      %convert_element_type3A_159 = arith.sitofp %and3A_153 : vector<1x8192xi32> to vector<1x8192xf32>
      %add3A_160 = arith.constant 5.000000e-01 : f32
      %add3A_161 = vector.broadcast %add3A_160 : f32 to vector<1x8192xf32>
      %add3A_162 = arith.addf %convert_element_type3A_159, %add3A_161 : vector<1x8192xf32>
      %mul3A = arith.constant 7.812500e-03 : f32
      %mul3A_163 = vector.broadcast %mul3A : f32 to vector<1x8192xf32>
      %mul3A_164 = arith.mulf %add3A_162, %mul3A_163 : vector<1x8192xf32>
      %convert_element_type3A_165 = arith.sitofp %shift_right_logical3A_158 : vector<1x8192xi32> to vector<1x8192xf32>
      %add3A_166 = arith.constant 5.000000e-01 : f32
      %add3A_167 = vector.broadcast %add3A_166 : f32 to vector<1x8192xf32>
      %add3A_168 = arith.addf %convert_element_type3A_165, %add3A_167 : vector<1x8192xf32>
      %mul3A_169 = arith.constant 7.812500e-03 : f32
      %mul3A_170 = vector.broadcast %mul3A_169 : f32 to vector<1x8192xf32>
      %mul3A_171 = arith.mulf %add3A_168, %mul3A_170 : vector<1x8192xf32>
      %slice3A_172 = vector.extract_strided_slice %logistic3A_149 {offsets = [0, 0], sizes = [2, 8192], strides = [1, 1]} : vector<8x8192xf32> to vector<2x8192xf32>
      %slice3A_173 = vector.extract_strided_slice %add3A_129 {offsets = [8, 0], sizes = [4, 8192], strides = [1, 1]} : vector<24x8192xf32> to vector<4x8192xf32>
      %slice3A_174 = vector.extract_strided_slice %get3A_4 {offsets = [8, 0], sizes = [6, 1], strides = [1, 1]} : vector<64x8xf32> to vector<6x1xf32>
      %broadcast_in_dim3A_175 = vector.shape_cast %slice3A_174 : vector<6x1xf32> to vector<6x1xf32>
      %broadcast_in_dim3A_176 = vector.broadcast %broadcast_in_dim3A_175 : vector<6x1xf32> to vector<6x8192xf32>
      %slice3A_177 = vector.extract_strided_slice %logistic3A_149 {offsets = [2, 0], sizes = [2, 8192], strides = [1, 1]} : vector<8x8192xf32> to vector<2x8192xf32>
      %slice3A_178 = vector.extract_strided_slice %add3A_129 {offsets = [12, 0], sizes = [4, 8192], strides = [1, 1]} : vector<24x8192xf32> to vector<4x8192xf32>
      %slice3A_179 = vector.extract_strided_slice %get3A_4 {offsets = [22, 0], sizes = [6, 1], strides = [1, 1]} : vector<64x8xf32> to vector<6x1xf32>
      %broadcast_in_dim3A_180 = vector.shape_cast %slice3A_179 : vector<6x1xf32> to vector<6x1xf32>
      %broadcast_in_dim3A_181 = vector.broadcast %broadcast_in_dim3A_180 : vector<6x1xf32> to vector<6x8192xf32>
      %slice3A_182 = vector.extract_strided_slice %logistic3A_149 {offsets = [4, 0], sizes = [2, 8192], strides = [1, 1]} : vector<8x8192xf32> to vector<2x8192xf32>
      %slice3A_183 = vector.extract_strided_slice %add3A_129 {offsets = [16, 0], sizes = [4, 8192], strides = [1, 1]} : vector<24x8192xf32> to vector<4x8192xf32>
      %slice3A_184 = vector.extract_strided_slice %get3A_4 {offsets = [36, 0], sizes = [6, 1], strides = [1, 1]} : vector<64x8xf32> to vector<6x1xf32>
      %broadcast_in_dim3A_185 = vector.shape_cast %slice3A_184 : vector<6x1xf32> to vector<6x1xf32>
      %broadcast_in_dim3A_186 = vector.broadcast %broadcast_in_dim3A_185 : vector<6x1xf32> to vector<6x8192xf32>
      %slice3A_187 = vector.extract_strided_slice %logistic3A_149 {offsets = [6, 0], sizes = [2, 8192], strides = [1, 1]} : vector<8x8192xf32> to vector<2x8192xf32>
      %slice3A_188 = vector.extract_strided_slice %add3A_129 {offsets = [20, 0], sizes = [4, 8192], strides = [1, 1]} : vector<24x8192xf32> to vector<4x8192xf32>
      %slice3A_189 = vector.extract_strided_slice %get3A_4 {offsets = [50, 0], sizes = [6, 1], strides = [1, 1]} : vector<64x8xf32> to vector<6x1xf32>
      %broadcast_in_dim3A_190 = vector.shape_cast %slice3A_189 : vector<6x1xf32> to vector<6x1xf32>
      %broadcast_in_dim3A_191 = vector.broadcast %broadcast_in_dim3A_190 : vector<6x1xf32> to vector<6x8192xf32>
      %concatenate3A_192 = tpu.concatenate %slice3A_172, %slice3A_173, %mul3A_164, %mul3A_171, %broadcast_in_dim3A_176, %slice3A_177, %slice3A_178, %mul3A_164, %mul3A_171, %broadcast_in_dim3A_181, %slice3A_182, %slice3A_183, %mul3A_164, %mul3A_171, %broadcast_in_dim3A_186, %slice3A_187, %slice3A_188, %mul3A_164, %mul3A_171, %broadcast_in_dim3A_191 in 0 : vector<2x8192xf32>, vector<4x8192xf32>, vector<1x8192xf32>, vector<1x8192xf32>, vector<6x8192xf32>, vector<2x8192xf32>, vector<4x8192xf32>, vector<1x8192xf32>, vector<1x8192xf32>, vector<6x8192xf32>, vector<2x8192xf32>, vector<4x8192xf32>, vector<1x8192xf32>, vector<1x8192xf32>, vector<6x8192xf32>, vector<2x8192xf32>, vector<4x8192xf32>, vector<1x8192xf32>, vector<1x8192xf32>, vector<6x8192xf32> -> vector<56x8192xf32>
      %transpose3A = tpu.transpose %concatenate3A_192, [1, 0] : vector<56x8192xf32> -> vector<8192x56xf32>
      %swap3A = arith.constant 0 : index
      %swap3A_193 = arith.constant 0 : index
      %swap3A_194 = arith.constant 0 : index
      %swap3A_195 = vector.load %arg12[%swap3A, %swap3A_193, %swap3A_194] : memref<1x8192x56xf32, #tpu.memory_space<vmem>>, vector<1x8192x56xf32>
      %swap3A_196 = vector.shape_cast %swap3A_195 : vector<1x8192x56xf32> to vector<8192x56xf32>
      %swap3A_197 = vector.shape_cast %transpose3A : vector<8192x56xf32> to vector<1x8192x56xf32>
      tpu.vector_store %arg12[%swap3A, %swap3A_193, %swap3A_194], %swap3A_197 {strides = array<i32>} : memref<1x8192x56xf32, #tpu.memory_space<vmem>>, vector<1x8192x56xf32>,
    } else {
    }
    %eq3A_7 = arith.constant 1 : i32
    %eq3A_8 = arith.cmpi eq, %arg1, %eq3A_7 : i32
    %convert_element_type3A_9 = arith.extui %eq3A_8 : i1 to i32
    %cond3A_10 = arith.constant 0 : i32
    %cond3A_11 = arith.cmpi ne, %convert_element_type3A_9, %cond3A_10 : i32
    scf.if %cond3A_11 {
      %get3A_17 = arith.constant 0 : index
      %get3A_18 = arith.constant 0 : index
      %get3A_19 = vector.load %arg6[%get3A_17, %get3A_18] : memref<216x96xbf16, #tpu.memory_space<vmem>>, vector<216x96xbf16>
      %get3A_20 = arith.constant 0 : index
      %get3A_21 = arith.constant 63 : index
      %get3A_22 = arith.constant 0 : index
      %get3A_23 = arith.constant 0 : index
      %get3A_24 = vector.load %arg2[%get3A_20, %get3A_21, %get3A_22, %get3A_23] : memref<1x128x128x96xf32, #tpu.memory_space<vmem>>, vector<1x65x128x96xf32>
      %get3A_25 = vector.shape_cast %get3A_24 : vector<1x65x128x96xf32> to vector<65x128x96xf32>
      %reshape3A = vector.shape_cast %get3A_25 : vector<65x128x96xf32> to vector<8320x96xf32>
      %convert_element_type3A_26 = arith.truncf %reshape3A : vector<8320x96xf32> to vector<8320x96xbf16>
      %dot_general3A = arith.constant dense<0.000000e+00> : vector<216x8320xf32>
      %dot_general3A_27 = tpu.matmul %get3A_19, %convert_element_type3A_26, %dot_general3A {dimension_numbers = #tpu.dot_dimension_numbers<[1], [1], [0], [0], [0, 0, 1, 0], [], []>, transpose_lhs_hint = false} : vector<216x96xbf16>, vector<8320x96xbf16>, vector<216x8320xf32> -> vector<216x8320xf32>
      %iota3A = tpu.iota {dimensions = array<i32: 1>} : vector<1x8192xi32>
      %and3A = arith.constant 127 : i32
      %and3A_28 = vector.broadcast %and3A : i32 to vector<1x8192xi32>
      %and3A_29 = arith.andi %iota3A, %and3A_28 : vector<1x8192xi32>
      %slice3A = vector.extract_strided_slice %get3A_1 {offsets = [0, 0], sizes = [24, 1], strides = [1, 1]} : vector<32x8xf32> to vector<24x1xf32>
      %broadcast_in_dim3A = vector.shape_cast %slice3A : vector<24x1xf32> to vector<24x1xf32>
      %broadcast_in_dim3A_30 = vector.broadcast %broadcast_in_dim3A : vector<24x1xf32> to vector<24x8192xf32>
      %slice3A_31 = vector.extract_strided_slice %dot_general3A_27 {offsets = [0, 0], sizes = [24, 8320], strides = [1, 1]} : vector<216x8320xf32> to vector<24x8320xf32>
      %slice3A_32 = vector.extract_strided_slice %slice3A_31 {offsets = [0, 8319], sizes = [24, 1], strides = [1, 1]} : vector<24x8320xf32> to vector<24x1xf32>
      %slice3A_33 = vector.extract_strided_slice %slice3A_31 {offsets = [0, 0], sizes = [24, 8319], strides = [1, 1]} : vector<24x8320xf32> to vector<24x8319xf32>
      %concatenate3A = tpu.concatenate %slice3A_32, %slice3A_33 in 1 : vector<24x1xf32>, vector<24x8319xf32> -> vector<24x8320xf32>
      %slice3A_34 = vector.extract_strided_slice %concatenate3A {offsets = [0, 0], sizes = [24, 8192], strides = [1, 1]} : vector<24x8320xf32> to vector<24x8192xf32>
      %gt3A = arith.constant 0 : i32
      %gt3A_35 = vector.broadcast %gt3A : i32 to vector<1x8192xi32>
      %gt3A_36 = arith.cmpi sgt, %and3A_29, %gt3A_35 : vector<1x8192xi32>
      %jit3A = arith.constant 0.000000e+00 : f32
      %broadcast_in_dim3A_37 = vector.shape_cast %gt3A_36 : vector<1x8192xi1> to vector<1x8192xi1>
      %broadcast_in_dim3A_38 = vector.broadcast %broadcast_in_dim3A_37 : vector<1x8192xi1> to vector<24x8192xi1>
      %broadcast_in_dim3A_39 = vector.broadcast %jit3A : f32 to vector<24x8192xf32>
      %select_n3A = arith.select %broadcast_in_dim3A_38, %slice3A_34, %broadcast_in_dim3A_39 : vector<24x8192xi1>, vector<24x8192xf32>
      %add3A = arith.addf %broadcast_in_dim3A_30, %select_n3A : vector<24x8192xf32>
      %slice3A_40 = vector.extract_strided_slice %dot_general3A_27 {offsets = [24, 0], sizes = [24, 8320], strides = [1, 1]} : vector<216x8320xf32> to vector<24x8320xf32>
      %slice3A_41 = vector.extract_strided_slice %slice3A_40 {offsets = [0, 0], sizes = [24, 8192], strides = [1, 1]} : vector<24x8320xf32> to vector<24x8192xf32>
      %add3A_42 = arith.addf %add3A, %slice3A_41 : vector<24x8192xf32>
      %slice3A_43 = vector.extract_strided_slice %dot_general3A_27 {offsets = [48, 0], sizes = [24, 8320], strides = [1, 1]} : vector<216x8320xf32> to vector<24x8320xf32>
      %slice3A_44 = vector.extract_strided_slice %slice3A_43 {offsets = [0, 1], sizes = [24, 8192], strides = [1, 1]} : vector<24x8320xf32> to vector<24x8192xf32>
      %lt3A = arith.constant 127 : i32
      %lt3A_45 = vector.broadcast %lt3A : i32 to vector<1x8192xi32>
      %lt3A_46 = arith.cmpi slt, %and3A_29, %lt3A_45 : vector<1x8192xi32>
      %jit3A_47 = arith.constant 0.000000e+00 : f32
      %broadcast_in_dim3A_48 = vector.shape_cast %lt3A_46 : vector<1x8192xi1> to vector<1x8192xi1>
      %broadcast_in_dim3A_49 = vector.broadcast %broadcast_in_dim3A_48 : vector<1x8192xi1> to vector<24x8192xi1>
      %broadcast_in_dim3A_50 = vector.broadcast %jit3A_47 : f32 to vector<24x8192xf32>
      %select_n3A_51 = arith.select %broadcast_in_dim3A_49, %slice3A_44, %broadcast_in_dim3A_50 : vector<24x8192xi1>, vector<24x8192xf32>
      %add3A_52 = arith.addf %add3A_42, %select_n3A_51 : vector<24x8192xf32>
      %slice3A_53 = vector.extract_strided_slice %dot_general3A_27 {offsets = [72, 0], sizes = [24, 8320], strides = [1, 1]} : vector<216x8320xf32> to vector<24x8320xf32>
      %slice3A_54 = vector.extract_strided_slice %slice3A_53 {offsets = [0, 127], sizes = [24, 8192], strides = [1, 1]} : vector<24x8320xf32> to vector<24x8192xf32>
      %gt3A_55 = arith.constant 0 : i32
      %gt3A_56 = vector.broadcast %gt3A_55 : i32 to vector<1x8192xi32>
      %gt3A_57 = arith.cmpi sgt, %and3A_29, %gt3A_56 : vector<1x8192xi32>
      %jit3A_58 = arith.constant 0.000000e+00 : f32
      %broadcast_in_dim3A_59 = vector.shape_cast %gt3A_57 : vector<1x8192xi1> to vector<1x8192xi1>
      %broadcast_in_dim3A_60 = vector.broadcast %broadcast_in_dim3A_59 : vector<1x8192xi1> to vector<24x8192xi1>
      %broadcast_in_dim3A_61 = vector.broadcast %jit3A_58 : f32 to vector<24x8192xf32>
      %select_n3A_62 = arith.select %broadcast_in_dim3A_60, %slice3A_54, %broadcast_in_dim3A_61 : vector<24x8192xi1>, vector<24x8192xf32>
      %add3A_63 = arith.addf %add3A_52, %select_n3A_62 : vector<24x8192xf32>
      %slice3A_64 = vector.extract_strided_slice %dot_general3A_27 {offsets = [96, 0], sizes = [24, 8320], strides = [1, 1]} : vector<216x8320xf32> to vector<24x8320xf32>
      %slice3A_65 = vector.extract_strided_slice %slice3A_64 {offsets = [0, 128], sizes = [24, 8192], strides = [1, 1]} : vector<24x8320xf32> to vector<24x8192xf32>
      %add3A_66 = arith.addf %add3A_63, %slice3A_65 : vector<24x8192xf32>
      %slice3A_67 = vector.extract_strided_slice %dot_general3A_27 {offsets = [120, 0], sizes = [24, 8320], strides = [1, 1]} : vector<216x8320xf32> to vector<24x8320xf32>
      %slice3A_68 = vector.extract_strided_slice %slice3A_67 {offsets = [0, 129], sizes = [24, 8191], strides = [1, 1]} : vector<24x8320xf32> to vector<24x8191xf32>
      %slice3A_69 = vector.extract_strided_slice %slice3A_67 {offsets = [0, 0], sizes = [24, 129], strides = [1, 1]} : vector<24x8320xf32> to vector<24x129xf32>
      %concatenate3A_70 = tpu.concatenate %slice3A_68, %slice3A_69 in 1 : vector<24x8191xf32>, vector<24x129xf32> -> vector<24x8320xf32>
      %slice3A_71 = vector.extract_strided_slice %concatenate3A_70 {offsets = [0, 0], sizes = [24, 8192], strides = [1, 1]} : vector<24x8320xf32> to vector<24x8192xf32>
      %lt3A_72 = arith.constant 127 : i32
      %lt3A_73 = vector.broadcast %lt3A_72 : i32 to vector<1x8192xi32>
      %lt3A_74 = arith.cmpi slt, %and3A_29, %lt3A_73 : vector<1x8192xi32>
      %jit3A_75 = arith.constant 0.000000e+00 : f32
      %broadcast_in_dim3A_76 = vector.shape_cast %lt3A_74 : vector<1x8192xi1> to vector<1x8192xi1>
      %broadcast_in_dim3A_77 = vector.broadcast %broadcast_in_dim3A_76 : vector<1x8192xi1> to vector<24x8192xi1>
      %broadcast_in_dim3A_78 = vector.broadcast %jit3A_75 : f32 to vector<24x8192xf32>
      %select_n3A_79 = arith.select %broadcast_in_dim3A_77, %slice3A_71, %broadcast_in_dim3A_78 : vector<24x8192xi1>, vector<24x8192xf32>
      %add3A_80 = arith.addf %add3A_66, %select_n3A_79 : vector<24x8192xf32>
      %slice3A_81 = vector.extract_strided_slice %dot_general3A_27 {offsets = [144, 0], sizes = [24, 8320], strides = [1, 1]} : vector<216x8320xf32> to vector<24x8320xf32>
      %slice3A_82 = vector.extract_strided_slice %slice3A_81 {offsets = [0, 255], sizes = [24, 8065], strides = [1, 1]} : vector<24x8320xf32> to vector<24x8065xf32>
      %slice3A_83 = vector.extract_strided_slice %slice3A_81 {offsets = [0, 0], sizes = [24, 255], strides = [1, 1]} : vector<24x8320xf32> to vector<24x255xf32>
      %concatenate3A_84 = tpu.concatenate %slice3A_82, %slice3A_83 in 1 : vector<24x8065xf32>, vector<24x255xf32> -> vector<24x8320xf32>
      %slice3A_85 = vector.extract_strided_slice %concatenate3A_84 {offsets = [0, 0], sizes = [24, 8192], strides = [1, 1]} : vector<24x8320xf32> to vector<24x8192xf32>
      %gt3A_86 = arith.constant 0 : i32
      %gt3A_87 = vector.broadcast %gt3A_86 : i32 to vector<1x8192xi32>
      %gt3A_88 = arith.cmpi sgt, %and3A_29, %gt3A_87 : vector<1x8192xi32>
      %lt3A_89 = arith.constant 8064 : i32
      %lt3A_90 = vector.broadcast %lt3A_89 : i32 to vector<1x8192xi32>
      %lt3A_91 = arith.cmpi slt, %iota3A, %lt3A_90 : vector<1x8192xi32>
      %and3A_92 = arith.andi %gt3A_88, %lt3A_91 : vector<1x8192xi1>
      %jit3A_93 = arith.constant 0.000000e+00 : f32
      %broadcast_in_dim3A_94 = vector.shape_cast %and3A_92 : vector<1x8192xi1> to vector<1x8192xi1>
      %broadcast_in_dim3A_95 = vector.broadcast %broadcast_in_dim3A_94 : vector<1x8192xi1> to vector<24x8192xi1>
      %broadcast_in_dim3A_96 = vector.broadcast %jit3A_93 : f32 to vector<24x8192xf32>
      %select_n3A_97 = arith.select %broadcast_in_dim3A_95, %slice3A_85, %broadcast_in_dim3A_96 : vector<24x8192xi1>, vector<24x8192xf32>
      %add3A_98 = arith.addf %add3A_80, %select_n3A_97 : vector<24x8192xf32>
      %slice3A_99 = vector.extract_strided_slice %dot_general3A_27 {offsets = [168, 0], sizes = [24, 8320], strides = [1, 1]} : vector<216x8320xf32> to vector<24x8320xf32>
      %slice3A_100 = vector.extract_strided_slice %slice3A_99 {offsets = [0, 256], sizes = [24, 8064], strides = [1, 1]} : vector<24x8320xf32> to vector<24x8064xf32>
      %slice3A_101 = vector.extract_strided_slice %slice3A_99 {offsets = [0, 0], sizes = [24, 256], strides = [1, 1]} : vector<24x8320xf32> to vector<24x256xf32>
      %concatenate3A_102 = tpu.concatenate %slice3A_100, %slice3A_101 in 1 : vector<24x8064xf32>, vector<24x256xf32> -> vector<24x8320xf32>
      %slice3A_103 = vector.extract_strided_slice %concatenate3A_102 {offsets = [0, 0], sizes = [24, 8192], strides = [1, 1]} : vector<24x8320xf32> to vector<24x8192xf32>
      %lt3A_104 = arith.constant 8064 : i32
      %lt3A_105 = vector.broadcast %lt3A_104 : i32 to vector<1x8192xi32>
      %lt3A_106 = arith.cmpi slt, %iota3A, %lt3A_105 : vector<1x8192xi32>
      %jit3A_107 = arith.constant 0.000000e+00 : f32
      %broadcast_in_dim3A_108 = vector.shape_cast %lt3A_106 : vector<1x8192xi1> to vector<1x8192xi1>
      %broadcast_in_dim3A_109 = vector.broadcast %broadcast_in_dim3A_108 : vector<1x8192xi1> to vector<24x8192xi1>
      %broadcast_in_dim3A_110 = vector.broadcast %jit3A_107 : f32 to vector<24x8192xf32>
      %select_n3A_111 = arith.select %broadcast_in_dim3A_109, %slice3A_103, %broadcast_in_dim3A_110 : vector<24x8192xi1>, vector<24x8192xf32>
      %add3A_112 = arith.addf %add3A_98, %select_n3A_111 : vector<24x8192xf32>
      %slice3A_113 = vector.extract_strided_slice %dot_general3A_27 {offsets = [192, 0], sizes = [24, 8320], strides = [1, 1]} : vector<216x8320xf32> to vector<24x8320xf32>
      %slice3A_114 = vector.extract_strided_slice %slice3A_113 {offsets = [0, 257], sizes = [24, 8063], strides = [1, 1]} : vector<24x8320xf32> to vector<24x8063xf32>
      %slice3A_115 = vector.extract_strided_slice %slice3A_113 {offsets = [0, 0], sizes = [24, 257], strides = [1, 1]} : vector<24x8320xf32> to vector<24x257xf32>
      %concatenate3A_116 = tpu.concatenate %slice3A_114, %slice3A_115 in 1 : vector<24x8063xf32>, vector<24x257xf32> -> vector<24x8320xf32>
      %slice3A_117 = vector.extract_strided_slice %concatenate3A_116 {offsets = [0, 0], sizes = [24, 8192], strides = [1, 1]} : vector<24x8320xf32> to vector<24x8192xf32>
      %lt3A_118 = arith.constant 127 : i32
      %lt3A_119 = vector.broadcast %lt3A_118 : i32 to vector<1x8192xi32>
      %lt3A_120 = arith.cmpi slt, %and3A_29, %lt3A_119 : vector<1x8192xi32>
      %lt3A_121 = arith.constant 8064 : i32
      %lt3A_122 = vector.broadcast %lt3A_121 : i32 to vector<1x8192xi32>
      %lt3A_123 = arith.cmpi slt, %iota3A, %lt3A_122 : vector<1x8192xi32>
      %and3A_124 = arith.andi %lt3A_120, %lt3A_123 : vector<1x8192xi1>
      %jit3A_125 = arith.constant 0.000000e+00 : f32
      %broadcast_in_dim3A_126 = vector.shape_cast %and3A_124 : vector<1x8192xi1> to vector<1x8192xi1>
      %broadcast_in_dim3A_127 = vector.broadcast %broadcast_in_dim3A_126 : vector<1x8192xi1> to vector<24x8192xi1>
      %broadcast_in_dim3A_128 = vector.broadcast %jit3A_125 : f32 to vector<24x8192xf32>
      %select_n3A_129 = arith.select %broadcast_in_dim3A_127, %slice3A_117, %broadcast_in_dim3A_128 : vector<24x8192xi1>, vector<24x8192xf32>
      %add3A_130 = arith.addf %add3A_112, %select_n3A_129 : vector<24x8192xf32>
      %slice3A_131 = vector.extract_strided_slice %add3A_130 {offsets = [0, 0], sizes = [8, 8192], strides = [1, 1]} : vector<24x8192xf32> to vector<8x8192xf32>
      %iota3A_132 = tpu.iota {dimensions = array<i32: 0>} : vector<8x8192xi32>
      %and3A_133 = arith.constant 1 : i32
      %and3A_134 = vector.broadcast %and3A_133 : i32 to vector<8x8192xi32>
      %and3A_135 = arith.andi %iota3A_132, %and3A_134 : vector<8x8192xi32>
      %eq3A_136 = arith.constant 0 : i32
      %eq3A_137 = vector.broadcast %eq3A_136 : i32 to vector<8x8192xi32>
      %eq3A_138 = arith.cmpi eq, %and3A_135, %eq3A_137 : vector<8x8192xi32>
      %slice3A_139 = vector.extract_strided_slice %slice3A_131 {offsets = [1, 0], sizes = [7, 8192], strides = [1, 1]} : vector<8x8192xf32> to vector<7x8192xf32>
      %slice3A_140 = vector.extract_strided_slice %slice3A_131 {offsets = [0, 0], sizes = [1, 8192], strides = [1, 1]} : vector<8x8192xf32> to vector<1x8192xf32>
      %concatenate3A_141 = tpu.concatenate %slice3A_139, %slice3A_140 in 0 : vector<7x8192xf32>, vector<1x8192xf32> -> vector<8x8192xf32>
      %slice3A_142 = vector.extract_strided_slice %slice3A_131 {offsets = [7, 0], sizes = [1, 8192], strides = [1, 1]} : vector<8x8192xf32> to vector<1x8192xf32>
      %slice3A_143 = vector.extract_strided_slice %slice3A_131 {offsets = [0, 0], sizes = [7, 8192], strides = [1, 1]} : vector<8x8192xf32> to vector<7x8192xf32>
      %concatenate3A_144 = tpu.concatenate %slice3A_142, %slice3A_143 in 0 : vector<1x8192xf32>, vector<7x8192xf32> -> vector<8x8192xf32>
      %select_n3A_145 = arith.select %eq3A_138, %concatenate3A_141, %concatenate3A_144 : vector<8x8192xi1>, vector<8x8192xf32>
      %sub3A = arith.subf %slice3A_131, %select_n3A_145 : vector<8x8192xf32>
      %logistic3A = arith.negf %sub3A : vector<8x8192xf32>
      %logistic3A_146 = math.exp %logistic3A : vector<8x8192xf32>
      %logistic3A_147 = arith.constant 1.000000e+00 : f32
      %logistic3A_148 = vector.broadcast %logistic3A_147 : f32 to vector<8x8192xf32>
      %logistic3A_149 = arith.addf %logistic3A_148, %logistic3A_146 : vector<8x8192xf32>
      %logistic3A_150 = arith.divf %logistic3A_148, %logistic3A_149 : vector<8x8192xf32>
      %iota3A_151 = tpu.iota {dimensions = array<i32: 1>} : vector<1x8192xi32>
      %and3A_152 = arith.constant 127 : i32
      %and3A_153 = vector.broadcast %and3A_152 : i32 to vector<1x8192xi32>
      %and3A_154 = arith.andi %iota3A_151, %and3A_153 : vector<1x8192xi32>
      %add3A_155 = arith.constant 8192 : i32
      %add3A_156 = vector.broadcast %add3A_155 : i32 to vector<1x8192xi32>
      %add3A_157 = arith.addi %add3A_156, %iota3A_151 : vector<1x8192xi32>
      %shift_right_logical3A = arith.constant 7 : i32
      %shift_right_logical3A_158 = vector.broadcast %shift_right_logical3A : i32 to vector<1x8192xi32>
      %shift_right_logical3A_159 = arith.shrui %add3A_157, %shift_right_logical3A_158 : vector<1x8192xi32>
      %convert_element_type3A_160 = arith.sitofp %and3A_154 : vector<1x8192xi32> to vector<1x8192xf32>
      %add3A_161 = arith.constant 5.000000e-01 : f32
      %add3A_162 = vector.broadcast %add3A_161 : f32 to vector<1x8192xf32>
      %add3A_163 = arith.addf %convert_element_type3A_160, %add3A_162 : vector<1x8192xf32>
      %mul3A = arith.constant 7.812500e-03 : f32
      %mul3A_164 = vector.broadcast %mul3A : f32 to vector<1x8192xf32>
      %mul3A_165 = arith.mulf %add3A_163, %mul3A_164 : vector<1x8192xf32>
      %convert_element_type3A_166 = arith.sitofp %shift_right_logical3A_159 : vector<1x8192xi32> to vector<1x8192xf32>
      %add3A_167 = arith.constant 5.000000e-01 : f32
      %add3A_168 = vector.broadcast %add3A_167 : f32 to vector<1x8192xf32>
      %add3A_169 = arith.addf %convert_element_type3A_166, %add3A_168 : vector<1x8192xf32>
      %mul3A_170 = arith.constant 7.812500e-03 : f32
      %mul3A_171 = vector.broadcast %mul3A_170 : f32 to vector<1x8192xf32>
      %mul3A_172 = arith.mulf %add3A_169, %mul3A_171 : vector<1x8192xf32>
      %slice3A_173 = vector.extract_strided_slice %logistic3A_150 {offsets = [0, 0], sizes = [2, 8192], strides = [1, 1]} : vector<8x8192xf32> to vector<2x8192xf32>
      %slice3A_174 = vector.extract_strided_slice %add3A_130 {offsets = [8, 0], sizes = [4, 8192], strides = [1, 1]} : vector<24x8192xf32> to vector<4x8192xf32>
      %slice3A_175 = vector.extract_strided_slice %get3A_4 {offsets = [8, 0], sizes = [6, 1], strides = [1, 1]} : vector<64x8xf32> to vector<6x1xf32>
      %broadcast_in_dim3A_176 = vector.shape_cast %slice3A_175 : vector<6x1xf32> to vector<6x1xf32>
      %broadcast_in_dim3A_177 = vector.broadcast %broadcast_in_dim3A_176 : vector<6x1xf32> to vector<6x8192xf32>
      %slice3A_178 = vector.extract_strided_slice %logistic3A_150 {offsets = [2, 0], sizes = [2, 8192], strides = [1, 1]} : vector<8x8192xf32> to vector<2x8192xf32>
      %slice3A_179 = vector.extract_strided_slice %add3A_130 {offsets = [12, 0], sizes = [4, 8192], strides = [1, 1]} : vector<24x8192xf32> to vector<4x8192xf32>
      %slice3A_180 = vector.extract_strided_slice %get3A_4 {offsets = [22, 0], sizes = [6, 1], strides = [1, 1]} : vector<64x8xf32> to vector<6x1xf32>
      %broadcast_in_dim3A_181 = vector.shape_cast %slice3A_180 : vector<6x1xf32> to vector<6x1xf32>
      %broadcast_in_dim3A_182 = vector.broadcast %broadcast_in_dim3A_181 : vector<6x1xf32> to vector<6x8192xf32>
      %slice3A_183 = vector.extract_strided_slice %logistic3A_150 {offsets = [4, 0], sizes = [2, 8192], strides = [1, 1]} : vector<8x8192xf32> to vector<2x8192xf32>
      %slice3A_184 = vector.extract_strided_slice %add3A_130 {offsets = [16, 0], sizes = [4, 8192], strides = [1, 1]} : vector<24x8192xf32> to vector<4x8192xf32>
      %slice3A_185 = vector.extract_strided_slice %get3A_4 {offsets = [36, 0], sizes = [6, 1], strides = [1, 1]} : vector<64x8xf32> to vector<6x1xf32>
      %broadcast_in_dim3A_186 = vector.shape_cast %slice3A_185 : vector<6x1xf32> to vector<6x1xf32>
      %broadcast_in_dim3A_187 = vector.broadcast %broadcast_in_dim3A_186 : vector<6x1xf32> to vector<6x8192xf32>
      %slice3A_188 = vector.extract_strided_slice %logistic3A_150 {offsets = [6, 0], sizes = [2, 8192], strides = [1, 1]} : vector<8x8192xf32> to vector<2x8192xf32>
      %slice3A_189 = vector.extract_strided_slice %add3A_130 {offsets = [20, 0], sizes = [4, 8192], strides = [1, 1]} : vector<24x8192xf32> to vector<4x8192xf32>
      %slice3A_190 = vector.extract_strided_slice %get3A_4 {offsets = [50, 0], sizes = [6, 1], strides = [1, 1]} : vector<64x8xf32> to vector<6x1xf32>
      %broadcast_in_dim3A_191 = vector.shape_cast %slice3A_190 : vector<6x1xf32> to vector<6x1xf32>
      %broadcast_in_dim3A_192 = vector.broadcast %broadcast_in_dim3A_191 : vector<6x1xf32> to vector<6x8192xf32>
      %concatenate3A_193 = tpu.concatenate %slice3A_173, %slice3A_174, %mul3A_165, %mul3A_172, %broadcast_in_dim3A_177, %slice3A_178, %slice3A_179, %mul3A_165, %mul3A_172, %broadcast_in_dim3A_182, %slice3A_183, %slice3A_184, %mul3A_165, %mul3A_172, %broadcast_in_dim3A_187, %slice3A_188, %slice3A_189, %mul3A_165, %mul3A_172, %broadcast_in_dim3A_192 in 0 : vector<2x8192xf32>, vector<4x8192xf32>, vector<1x8192xf32>, vector<1x8192xf32>, vector<6x8192xf32>, vector<2x8192xf32>, vector<4x8192xf32>, vector<1x8192xf32>, vector<1x8192xf32>, vector<6x8192xf32>, vector<2x8192xf32>, vector<4x8192xf32>, vector<1x8192xf32>, vector<1x8192xf32>, vector<6x8192xf32>, vector<2x8192xf32>, vector<4x8192xf32>, vector<1x8192xf32>, vector<1x8192xf32>, vector<6x8192xf32> -> vector<56x8192xf32>
      %transpose3A = tpu.transpose %concatenate3A_193, [1, 0] : vector<56x8192xf32> -> vector<8192x56xf32>
      %swap3A = arith.constant 0 : index
      %swap3A_194 = arith.constant 0 : index
      %swap3A_195 = arith.constant 0 : index
      %swap3A_196 = vector.load %arg12[%swap3A, %swap3A_194, %swap3A_195] : memref<1x8192x56xf32, #tpu.memory_space<vmem>>, vector<1x8192x56xf32>
      %swap3A_197 = vector.shape_cast %swap3A_196 : vector<1x8192x56xf32> to vector<8192x56xf32>
      %swap3A_198 = vector.shape_cast %transpose3A : vector<8192x56xf32> to vector<1x8192x56xf32>
      tpu.vector_store %arg12[%swap3A, %swap3A_194, %swap3A_195], %swap3A_198 {strides = array<i32>} : memref<1x8192x56xf32, #tpu.memory_space<vmem>>, vector<1x8192x56xf32>,
    } else {
    }
    %eq3A_12 = arith.constant 2 : i32
    %eq3A_13 = arith.cmpi eq, %arg1, %eq3A_12 : i32
    %convert_element_type3A_14 = arith.extui %eq3A_13 : i1 to i32
    %cond3A_15 = arith.constant 0 : i32
    %cond3A_16 = arith.cmpi ne, %convert_element_type3A_14, %cond3A_15 : i32
    scf.if %cond3A_16 {
      %get3A_17 = arith.constant 0 : index
      %get3A_18 = arith.constant 0 : index
      %get3A_19 = vector.load %arg7[%get3A_17, %get3A_18] : memref<216x192xbf16, #tpu.memory_space<vmem>>, vector<216x192xbf16>
      %get3A_20 = arith.constant 0 : index
      %get3A_21 = arith.constant 0 : index
      %get3A_22 = arith.constant 0 : index
      %get3A_23 = arith.constant 0 : index
      %get3A_24 = vector.load %arg3[%get3A_20, %get3A_21, %get3A_22, %get3A_23] : memref<1x64x64x192xf32, #tpu.memory_space<vmem>>, vector<1x64x64x192xf32>
      %get3A_25 = vector.shape_cast %get3A_24 : vector<1x64x64x192xf32> to vector<64x64x192xf32>
      %reshape3A = vector.shape_cast %get3A_25 : vector<64x64x192xf32> to vector<4096x192xf32>
      %convert_element_type3A_26 = arith.truncf %reshape3A : vector<4096x192xf32> to vector<4096x192xbf16>
      %dot_general3A = arith.constant dense<0.000000e+00> : vector<216x4096xf32>
      %dot_general3A_27 = tpu.matmul %get3A_19, %convert_element_type3A_26, %dot_general3A {dimension_numbers = #tpu.dot_dimension_numbers<[1], [1], [0], [0], [0, 0, 1, 0], [], []>, transpose_lhs_hint = false} : vector<216x192xbf16>, vector<4096x192xbf16>, vector<216x4096xf32> -> vector<216x4096xf32>
      %iota3A = tpu.iota {dimensions = array<i32: 1>} : vector<1x4096xi32>
      %and3A = arith.constant 63 : i32
      %and3A_28 = vector.broadcast %and3A : i32 to vector<1x4096xi32>
      %and3A_29 = arith.andi %iota3A, %and3A_28 : vector<1x4096xi32>
      %slice3A = vector.extract_strided_slice %get3A_1 {offsets = [0, 1], sizes = [24, 1], strides = [1, 1]} : vector<32x8xf32> to vector<24x1xf32>
      %broadcast_in_dim3A = vector.shape_cast %slice3A : vector<24x1xf32> to vector<24x1xf32>
      %broadcast_in_dim3A_30 = vector.broadcast %broadcast_in_dim3A : vector<24x1xf32> to vector<24x4096xf32>
      %slice3A_31 = vector.extract_strided_slice %dot_general3A_27 {offsets = [0, 0], sizes = [24, 4096], strides = [1, 1]} : vector<216x4096xf32> to vector<24x4096xf32>
      %slice3A_32 = vector.extract_strided_slice %slice3A_31 {offsets = [0, 4031], sizes = [24, 65], strides = [1, 1]} : vector<24x4096xf32> to vector<24x65xf32>
      %slice3A_33 = vector.extract_strided_slice %slice3A_31 {offsets = [0, 0], sizes = [24, 4031], strides = [1, 1]} : vector<24x4096xf32> to vector<24x4031xf32>
      %concatenate3A = tpu.concatenate %slice3A_32, %slice3A_33 in 1 : vector<24x65xf32>, vector<24x4031xf32> -> vector<24x4096xf32>
      %gt3A = arith.constant 0 : i32
      %gt3A_34 = vector.broadcast %gt3A : i32 to vector<1x4096xi32>
      %gt3A_35 = arith.cmpi sgt, %and3A_29, %gt3A_34 : vector<1x4096xi32>
      %ge3A = arith.constant 64 : i32
      %ge3A_36 = vector.broadcast %ge3A : i32 to vector<1x4096xi32>
      %ge3A_37 = arith.cmpi sge, %iota3A, %ge3A_36 : vector<1x4096xi32>
      %and3A_38 = arith.andi %gt3A_35, %ge3A_37 : vector<1x4096xi1>
      %jit3A = arith.constant 0.000000e+00 : f32
      %broadcast_in_dim3A_39 = vector.shape_cast %and3A_38 : vector<1x4096xi1> to vector<1x4096xi1>
      %broadcast_in_dim3A_40 = vector.broadcast %broadcast_in_dim3A_39 : vector<1x4096xi1> to vector<24x4096xi1>
      %broadcast_in_dim3A_41 = vector.broadcast %jit3A : f32 to vector<24x4096xf32>
      %select_n3A = arith.select %broadcast_in_dim3A_40, %concatenate3A, %broadcast_in_dim3A_41 : vector<24x4096xi1>, vector<24x4096xf32>
      %add3A = arith.addf %broadcast_in_dim3A_30, %select_n3A : vector<24x4096xf32>
      %slice3A_42 = vector.extract_strided_slice %dot_general3A_27 {offsets = [24, 0], sizes = [24, 4096], strides = [1, 1]} : vector<216x4096xf32> to vector<24x4096xf32>
      %slice3A_43 = vector.extract_strided_slice %slice3A_42 {offsets = [0, 4032], sizes = [24, 64], strides = [1, 1]} : vector<24x4096xf32> to vector<24x64xf32>
      %slice3A_44 = vector.extract_strided_slice %slice3A_42 {offsets = [0, 0], sizes = [24, 4032], strides = [1, 1]} : vector<24x4096xf32> to vector<24x4032xf32>
      %concatenate3A_45 = tpu.concatenate %slice3A_43, %slice3A_44 in 1 : vector<24x64xf32>, vector<24x4032xf32> -> vector<24x4096xf32>
      %ge3A_46 = arith.constant 64 : i32
      %ge3A_47 = vector.broadcast %ge3A_46 : i32 to vector<1x4096xi32>
      %ge3A_48 = arith.cmpi sge, %iota3A, %ge3A_47 : vector<1x4096xi32>
      %jit3A_49 = arith.constant 0.000000e+00 : f32
      %broadcast_in_dim3A_50 = vector.shape_cast %ge3A_48 : vector<1x4096xi1> to vector<1x4096xi1>
      %broadcast_in_dim3A_51 = vector.broadcast %broadcast_in_dim3A_50 : vector<1x4096xi1> to vector<24x4096xi1>
      %broadcast_in_dim3A_52 = vector.broadcast %jit3A_49 : f32 to vector<24x4096xf32>
      %select_n3A_53 = arith.select %broadcast_in_dim3A_51, %concatenate3A_45, %broadcast_in_dim3A_52 : vector<24x4096xi1>, vector<24x4096xf32>
      %add3A_54 = arith.addf %add3A, %select_n3A_53 : vector<24x4096xf32>
      %slice3A_55 = vector.extract_strided_slice %dot_general3A_27 {offsets = [48, 0], sizes = [24, 4096], strides = [1, 1]} : vector<216x4096xf32> to vector<24x4096xf32>
      %slice3A_56 = vector.extract_strided_slice %slice3A_55 {offsets = [0, 4033], sizes = [24, 63], strides = [1, 1]} : vector<24x4096xf32> to vector<24x63xf32>
      %slice3A_57 = vector.extract_strided_slice %slice3A_55 {offsets = [0, 0], sizes = [24, 4033], strides = [1, 1]} : vector<24x4096xf32> to vector<24x4033xf32>
      %concatenate3A_58 = tpu.concatenate %slice3A_56, %slice3A_57 in 1 : vector<24x63xf32>, vector<24x4033xf32> -> vector<24x4096xf32>
      %lt3A = arith.constant 63 : i32
      %lt3A_59 = vector.broadcast %lt3A : i32 to vector<1x4096xi32>
      %lt3A_60 = arith.cmpi slt, %and3A_29, %lt3A_59 : vector<1x4096xi32>
      %ge3A_61 = arith.constant 64 : i32
      %ge3A_62 = vector.broadcast %ge3A_61 : i32 to vector<1x4096xi32>
      %ge3A_63 = arith.cmpi sge, %iota3A, %ge3A_62 : vector<1x4096xi32>
      %and3A_64 = arith.andi %lt3A_60, %ge3A_63 : vector<1x4096xi1>
      %jit3A_65 = arith.constant 0.000000e+00 : f32
      %broadcast_in_dim3A_66 = vector.shape_cast %and3A_64 : vector<1x4096xi1> to vector<1x4096xi1>
      %broadcast_in_dim3A_67 = vector.broadcast %broadcast_in_dim3A_66 : vector<1x4096xi1> to vector<24x4096xi1>
      %broadcast_in_dim3A_68 = vector.broadcast %jit3A_65 : f32 to vector<24x4096xf32>
      %select_n3A_69 = arith.select %broadcast_in_dim3A_67, %concatenate3A_58, %broadcast_in_dim3A_68 : vector<24x4096xi1>, vector<24x4096xf32>
      %add3A_70 = arith.addf %add3A_54, %select_n3A_69 : vector<24x4096xf32>
      %slice3A_71 = vector.extract_strided_slice %dot_general3A_27 {offsets = [72, 0], sizes = [24, 4096], strides = [1, 1]} : vector<216x4096xf32> to vector<24x4096xf32>
      %slice3A_72 = vector.extract_strided_slice %slice3A_71 {offsets = [0, 4095], sizes = [24, 1], strides = [1, 1]} : vector<24x4096xf32> to vector<24x1xf32>
      %slice3A_73 = vector.extract_strided_slice %slice3A_71 {offsets = [0, 0], sizes = [24, 4095], strides = [1, 1]} : vector<24x4096xf32> to vector<24x4095xf32>
      %concatenate3A_74 = tpu.concatenate %slice3A_72, %slice3A_73 in 1 : vector<24x1xf32>, vector<24x4095xf32> -> vector<24x4096xf32>
      %gt3A_75 = arith.constant 0 : i32
      %gt3A_76 = vector.broadcast %gt3A_75 : i32 to vector<1x4096xi32>
      %gt3A_77 = arith.cmpi sgt, %and3A_29, %gt3A_76 : vector<1x4096xi32>
      %jit3A_78 = arith.constant 0.000000e+00 : f32
      %broadcast_in_dim3A_79 = vector.shape_cast %gt3A_77 : vector<1x4096xi1> to vector<1x4096xi1>
      %broadcast_in_dim3A_80 = vector.broadcast %broadcast_in_dim3A_79 : vector<1x4096xi1> to vector<24x4096xi1>
      %broadcast_in_dim3A_81 = vector.broadcast %jit3A_78 : f32 to vector<24x4096xf32>
      %select_n3A_82 = arith.select %broadcast_in_dim3A_80, %concatenate3A_74, %broadcast_in_dim3A_81 : vector<24x4096xi1>, vector<24x4096xf32>
      %add3A_83 = arith.addf %add3A_70, %select_n3A_82 : vector<24x4096xf32>
      %slice3A_84 = vector.extract_strided_slice %dot_general3A_27 {offsets = [96, 0], sizes = [24, 4096], strides = [1, 1]} : vector<216x4096xf32> to vector<24x4096xf32>
      %add3A_85 = arith.addf %add3A_83, %slice3A_84 : vector<24x4096xf32>
      %slice3A_86 = vector.extract_strided_slice %dot_general3A_27 {offsets = [120, 0], sizes = [24, 4096], strides = [1, 1]} : vector<216x4096xf32> to vector<24x4096xf32>
      %slice3A_87 = vector.extract_strided_slice %slice3A_86 {offsets = [0, 1], sizes = [24, 4095], strides = [1, 1]} : vector<24x4096xf32> to vector<24x4095xf32>
      %slice3A_88 = vector.extract_strided_slice %slice3A_86 {offsets = [0, 0], sizes = [24, 1], strides = [1, 1]} : vector<24x4096xf32> to vector<24x1xf32>
      %concatenate3A_89 = tpu.concatenate %slice3A_87, %slice3A_88 in 1 : vector<24x4095xf32>, vector<24x1xf32> -> vector<24x4096xf32>
      %lt3A_90 = arith.constant 63 : i32
      %lt3A_91 = vector.broadcast %lt3A_90 : i32 to vector<1x4096xi32>
      %lt3A_92 = arith.cmpi slt, %and3A_29, %lt3A_91 : vector<1x4096xi32>
      %jit3A_93 = arith.constant 0.000000e+00 : f32
      %broadcast_in_dim3A_94 = vector.shape_cast %lt3A_92 : vector<1x4096xi1> to vector<1x4096xi1>
      %broadcast_in_dim3A_95 = vector.broadcast %broadcast_in_dim3A_94 : vector<1x4096xi1> to vector<24x4096xi1>
      %broadcast_in_dim3A_96 = vector.broadcast %jit3A_93 : f32 to vector<24x4096xf32>
      %select_n3A_97 = arith.select %broadcast_in_dim3A_95, %concatenate3A_89, %broadcast_in_dim3A_96 : vector<24x4096xi1>, vector<24x4096xf32>
      %add3A_98 = arith.addf %add3A_85, %select_n3A_97 : vector<24x4096xf32>
      %slice3A_99 = vector.extract_strided_slice %dot_general3A_27 {offsets = [144, 0], sizes = [24, 4096], strides = [1, 1]} : vector<216x4096xf32> to vector<24x4096xf32>
      %slice3A_100 = vector.extract_strided_slice %slice3A_99 {offsets = [0, 63], sizes = [24, 4033], strides = [1, 1]} : vector<24x4096xf32> to vector<24x4033xf32>
      %slice3A_101 = vector.extract_strided_slice %slice3A_99 {offsets = [0, 0], sizes = [24, 63], strides = [1, 1]} : vector<24x4096xf32> to vector<24x63xf32>
      %concatenate3A_102 = tpu.concatenate %slice3A_100, %slice3A_101 in 1 : vector<24x4033xf32>, vector<24x63xf32> -> vector<24x4096xf32>
      %gt3A_103 = arith.constant 0 : i32
      %gt3A_104 = vector.broadcast %gt3A_103 : i32 to vector<1x4096xi32>
      %gt3A_105 = arith.cmpi sgt, %and3A_29, %gt3A_104 : vector<1x4096xi32>
      %lt3A_106 = arith.constant 4032 : i32
      %lt3A_107 = vector.broadcast %lt3A_106 : i32 to vector<1x4096xi32>
      %lt3A_108 = arith.cmpi slt, %iota3A, %lt3A_107 : vector<1x4096xi32>
      %and3A_109 = arith.andi %gt3A_105, %lt3A_108 : vector<1x4096xi1>
      %jit3A_110 = arith.constant 0.000000e+00 : f32
      %broadcast_in_dim3A_111 = vector.shape_cast %and3A_109 : vector<1x4096xi1> to vector<1x4096xi1>
      %broadcast_in_dim3A_112 = vector.broadcast %broadcast_in_dim3A_111 : vector<1x4096xi1> to vector<24x4096xi1>
      %broadcast_in_dim3A_113 = vector.broadcast %jit3A_110 : f32 to vector<24x4096xf32>
      %select_n3A_114 = arith.select %broadcast_in_dim3A_112, %concatenate3A_102, %broadcast_in_dim3A_113 : vector<24x4096xi1>, vector<24x4096xf32>
      %add3A_115 = arith.addf %add3A_98, %select_n3A_114 : vector<24x4096xf32>
      %slice3A_116 = vector.extract_strided_slice %dot_general3A_27 {offsets = [168, 0], sizes = [24, 4096], strides = [1, 1]} : vector<216x4096xf32> to vector<24x4096xf32>
      %slice3A_117 = vector.extract_strided_slice %slice3A_116 {offsets = [0, 64], sizes = [24, 4032], strides = [1, 1]} : vector<24x4096xf32> to vector<24x4032xf32>
      %slice3A_118 = vector.extract_strided_slice %slice3A_116 {offsets = [0, 0], sizes = [24, 64], strides = [1, 1]} : vector<24x4096xf32> to vector<24x64xf32>
      %concatenate3A_119 = tpu.concatenate %slice3A_117, %slice3A_118 in 1 : vector<24x4032xf32>, vector<24x64xf32> -> vector<24x4096xf32>
      %lt3A_120 = arith.constant 4032 : i32
      %lt3A_121 = vector.broadcast %lt3A_120 : i32 to vector<1x4096xi32>
      %lt3A_122 = arith.cmpi slt, %iota3A, %lt3A_121 : vector<1x4096xi32>
      %jit3A_123 = arith.constant 0.000000e+00 : f32
      %broadcast_in_dim3A_124 = vector.shape_cast %lt3A_122 : vector<1x4096xi1> to vector<1x4096xi1>
      %broadcast_in_dim3A_125 = vector.broadcast %broadcast_in_dim3A_124 : vector<1x4096xi1> to vector<24x4096xi1>
      %broadcast_in_dim3A_126 = vector.broadcast %jit3A_123 : f32 to vector<24x4096xf32>
      %select_n3A_127 = arith.select %broadcast_in_dim3A_125, %concatenate3A_119, %broadcast_in_dim3A_126 : vector<24x4096xi1>, vector<24x4096xf32>
      %add3A_128 = arith.addf %add3A_115, %select_n3A_127 : vector<24x4096xf32>
      %slice3A_129 = vector.extract_strided_slice %dot_general3A_27 {offsets = [192, 0], sizes = [24, 4096], strides = [1, 1]} : vector<216x4096xf32> to vector<24x4096xf32>
      %slice3A_130 = vector.extract_strided_slice %slice3A_129 {offsets = [0, 65], sizes = [24, 4031], strides = [1, 1]} : vector<24x4096xf32> to vector<24x4031xf32>
      %slice3A_131 = vector.extract_strided_slice %slice3A_129 {offsets = [0, 0], sizes = [24, 65], strides = [1, 1]} : vector<24x4096xf32> to vector<24x65xf32>
      %concatenate3A_132 = tpu.concatenate %slice3A_130, %slice3A_131 in 1 : vector<24x4031xf32>, vector<24x65xf32> -> vector<24x4096xf32>
      %lt3A_133 = arith.constant 63 : i32
      %lt3A_134 = vector.broadcast %lt3A_133 : i32 to vector<1x4096xi32>
      %lt3A_135 = arith.cmpi slt, %and3A_29, %lt3A_134 : vector<1x4096xi32>
      %lt3A_136 = arith.constant 4032 : i32
      %lt3A_137 = vector.broadcast %lt3A_136 : i32 to vector<1x4096xi32>
      %lt3A_138 = arith.cmpi slt, %iota3A, %lt3A_137 : vector<1x4096xi32>
      %and3A_139 = arith.andi %lt3A_135, %lt3A_138 : vector<1x4096xi1>
      %jit3A_140 = arith.constant 0.000000e+00 : f32
      %broadcast_in_dim3A_141 = vector.shape_cast %and3A_139 : vector<1x4096xi1> to vector<1x4096xi1>
      %broadcast_in_dim3A_142 = vector.broadcast %broadcast_in_dim3A_141 : vector<1x4096xi1> to vector<24x4096xi1>
      %broadcast_in_dim3A_143 = vector.broadcast %jit3A_140 : f32 to vector<24x4096xf32>
      %select_n3A_144 = arith.select %broadcast_in_dim3A_142, %concatenate3A_132, %broadcast_in_dim3A_143 : vector<24x4096xi1>, vector<24x4096xf32>
      %add3A_145 = arith.addf %add3A_128, %select_n3A_144 : vector<24x4096xf32>
      %slice3A_146 = vector.extract_strided_slice %add3A_145 {offsets = [0, 0], sizes = [8, 4096], strides = [1, 1]} : vector<24x4096xf32> to vector<8x4096xf32>
      %iota3A_147 = tpu.iota {dimensions = array<i32: 0>} : vector<8x4096xi32>
      %and3A_148 = arith.constant 1 : i32
      %and3A_149 = vector.broadcast %and3A_148 : i32 to vector<8x4096xi32>
      %and3A_150 = arith.andi %iota3A_147, %and3A_149 : vector<8x4096xi32>
      %eq3A_151 = arith.constant 0 : i32
      %eq3A_152 = vector.broadcast %eq3A_151 : i32 to vector<8x4096xi32>
      %eq3A_153 = arith.cmpi eq, %and3A_150, %eq3A_152 : vector<8x4096xi32>
      %slice3A_154 = vector.extract_strided_slice %slice3A_146 {offsets = [1, 0], sizes = [7, 4096], strides = [1, 1]} : vector<8x4096xf32> to vector<7x4096xf32>
      %slice3A_155 = vector.extract_strided_slice %slice3A_146 {offsets = [0, 0], sizes = [1, 4096], strides = [1, 1]} : vector<8x4096xf32> to vector<1x4096xf32>
      %concatenate3A_156 = tpu.concatenate %slice3A_154, %slice3A_155 in 0 : vector<7x4096xf32>, vector<1x4096xf32> -> vector<8x4096xf32>
      %slice3A_157 = vector.extract_strided_slice %slice3A_146 {offsets = [7, 0], sizes = [1, 4096], strides = [1, 1]} : vector<8x4096xf32> to vector<1x4096xf32>
      %slice3A_158 = vector.extract_strided_slice %slice3A_146 {offsets = [0, 0], sizes = [7, 4096], strides = [1, 1]} : vector<8x4096xf32> to vector<7x4096xf32>
      %concatenate3A_159 = tpu.concatenate %slice3A_157, %slice3A_158 in 0 : vector<1x4096xf32>, vector<7x4096xf32> -> vector<8x4096xf32>
      %select_n3A_160 = arith.select %eq3A_153, %concatenate3A_156, %concatenate3A_159 : vector<8x4096xi1>, vector<8x4096xf32>
      %sub3A = arith.subf %slice3A_146, %select_n3A_160 : vector<8x4096xf32>
      %logistic3A = arith.negf %sub3A : vector<8x4096xf32>
      %logistic3A_161 = math.exp %logistic3A : vector<8x4096xf32>
      %logistic3A_162 = arith.constant 1.000000e+00 : f32
      %logistic3A_163 = vector.broadcast %logistic3A_162 : f32 to vector<8x4096xf32>
      %logistic3A_164 = arith.addf %logistic3A_163, %logistic3A_161 : vector<8x4096xf32>
      %logistic3A_165 = arith.divf %logistic3A_163, %logistic3A_164 : vector<8x4096xf32>
      %iota3A_166 = tpu.iota {dimensions = array<i32: 1>} : vector<1x4096xi32>
      %and3A_167 = arith.constant 63 : i32
      %and3A_168 = vector.broadcast %and3A_167 : i32 to vector<1x4096xi32>
      %and3A_169 = arith.andi %iota3A_166, %and3A_168 : vector<1x4096xi32>
      %add3A_170 = arith.constant 0 : i32
      %add3A_171 = vector.broadcast %add3A_170 : i32 to vector<1x4096xi32>
      %add3A_172 = arith.addi %add3A_171, %iota3A_166 : vector<1x4096xi32>
      %shift_right_logical3A = arith.constant 6 : i32
      %shift_right_logical3A_173 = vector.broadcast %shift_right_logical3A : i32 to vector<1x4096xi32>
      %shift_right_logical3A_174 = arith.shrui %add3A_172, %shift_right_logical3A_173 : vector<1x4096xi32>
      %convert_element_type3A_175 = arith.sitofp %and3A_169 : vector<1x4096xi32> to vector<1x4096xf32>
      %add3A_176 = arith.constant 5.000000e-01 : f32
      %add3A_177 = vector.broadcast %add3A_176 : f32 to vector<1x4096xf32>
      %add3A_178 = arith.addf %convert_element_type3A_175, %add3A_177 : vector<1x4096xf32>
      %mul3A = arith.constant 1.562500e-02 : f32
      %mul3A_179 = vector.broadcast %mul3A : f32 to vector<1x4096xf32>
      %mul3A_180 = arith.mulf %add3A_178, %mul3A_179 : vector<1x4096xf32>
      %convert_element_type3A_181 = arith.sitofp %shift_right_logical3A_174 : vector<1x4096xi32> to vector<1x4096xf32>
      %add3A_182 = arith.constant 5.000000e-01 : f32
      %add3A_183 = vector.broadcast %add3A_182 : f32 to vector<1x4096xf32>
      %add3A_184 = arith.addf %convert_element_type3A_181, %add3A_183 : vector<1x4096xf32>
      %mul3A_185 = arith.constant 1.562500e-02 : f32
      %mul3A_186 = vector.broadcast %mul3A_185 : f32 to vector<1x4096xf32>
      %mul3A_187 = arith.mulf %add3A_184, %mul3A_186 : vector<1x4096xf32>
      %slice3A_188 = vector.extract_strided_slice %logistic3A_165 {offsets = [0, 0], sizes = [2, 4096], strides = [1, 1]} : vector<8x4096xf32> to vector<2x4096xf32>
      %slice3A_189 = vector.extract_strided_slice %add3A_145 {offsets = [8, 0], sizes = [4, 4096], strides = [1, 1]} : vector<24x4096xf32> to vector<4x4096xf32>
      %slice3A_190 = vector.extract_strided_slice %get3A_4 {offsets = [8, 1], sizes = [6, 1], strides = [1, 1]} : vector<64x8xf32> to vector<6x1xf32>
      %broadcast_in_dim3A_191 = vector.shape_cast %slice3A_190 : vector<6x1xf32> to vector<6x1xf32>
      %broadcast_in_dim3A_192 = vector.broadcast %broadcast_in_dim3A_191 : vector<6x1xf32> to vector<6x4096xf32>
      %slice3A_193 = vector.extract_strided_slice %logistic3A_165 {offsets = [2, 0], sizes = [2, 4096], strides = [1, 1]} : vector<8x4096xf32> to vector<2x4096xf32>
      %slice3A_194 = vector.extract_strided_slice %add3A_145 {offsets = [12, 0], sizes = [4, 4096], strides = [1, 1]} : vector<24x4096xf32> to vector<4x4096xf32>
      %slice3A_195 = vector.extract_strided_slice %get3A_4 {offsets = [22, 1], sizes = [6, 1], strides = [1, 1]} : vector<64x8xf32> to vector<6x1xf32>
      %broadcast_in_dim3A_196 = vector.shape_cast %slice3A_195 : vector<6x1xf32> to vector<6x1xf32>
      %broadcast_in_dim3A_197 = vector.broadcast %broadcast_in_dim3A_196 : vector<6x1xf32> to vector<6x4096xf32>
      %slice3A_198 = vector.extract_strided_slice %logistic3A_165 {offsets = [4, 0], sizes = [2, 4096], strides = [1, 1]} : vector<8x4096xf32> to vector<2x4096xf32>
      %slice3A_199 = vector.extract_strided_slice %add3A_145 {offsets = [16, 0], sizes = [4, 4096], strides = [1, 1]} : vector<24x4096xf32> to vector<4x4096xf32>
      %slice3A_200 = vector.extract_strided_slice %get3A_4 {offsets = [36, 1], sizes = [6, 1], strides = [1, 1]} : vector<64x8xf32> to vector<6x1xf32>
      %broadcast_in_dim3A_201 = vector.shape_cast %slice3A_200 : vector<6x1xf32> to vector<6x1xf32>
      %broadcast_in_dim3A_202 = vector.broadcast %broadcast_in_dim3A_201 : vector<6x1xf32> to vector<6x4096xf32>
      %slice3A_203 = vector.extract_strided_slice %logistic3A_165 {offsets = [6, 0], sizes = [2, 4096], strides = [1, 1]} : vector<8x4096xf32> to vector<2x4096xf32>
      %slice3A_204 = vector.extract_strided_slice %add3A_145 {offsets = [20, 0], sizes = [4, 4096], strides = [1, 1]} : vector<24x4096xf32> to vector<4x4096xf32>
      %slice3A_205 = vector.extract_strided_slice %get3A_4 {offsets = [50, 1], sizes = [6, 1], strides = [1, 1]} : vector<64x8xf32> to vector<6x1xf32>
      %broadcast_in_dim3A_206 = vector.shape_cast %slice3A_205 : vector<6x1xf32> to vector<6x1xf32>
      %broadcast_in_dim3A_207 = vector.broadcast %broadcast_in_dim3A_206 : vector<6x1xf32> to vector<6x4096xf32>
      %concatenate3A_208 = tpu.concatenate %slice3A_188, %slice3A_189, %mul3A_180, %mul3A_187, %broadcast_in_dim3A_192, %slice3A_193, %slice3A_194, %mul3A_180, %mul3A_187, %broadcast_in_dim3A_197, %slice3A_198, %slice3A_199, %mul3A_180, %mul3A_187, %broadcast_in_dim3A_202, %slice3A_203, %slice3A_204, %mul3A_180, %mul3A_187, %broadcast_in_dim3A_207 in 0 : vector<2x4096xf32>, vector<4x4096xf32>, vector<1x4096xf32>, vector<1x4096xf32>, vector<6x4096xf32>, vector<2x4096xf32>, vector<4x4096xf32>, vector<1x4096xf32>, vector<1x4096xf32>, vector<6x4096xf32>, vector<2x4096xf32>, vector<4x4096xf32>, vector<1x4096xf32>, vector<1x4096xf32>, vector<6x4096xf32>, vector<2x4096xf32>, vector<4x4096xf32>, vector<1x4096xf32>, vector<1x4096xf32>, vector<6x4096xf32> -> vector<56x4096xf32>
      %transpose3A = tpu.transpose %concatenate3A_208, [1, 0] : vector<56x4096xf32> -> vector<4096x56xf32>
      %swap3A = arith.constant 0 : index
      %swap3A_209 = arith.constant 0 : index
      %swap3A_210 = arith.constant 0 : index
      %swap3A_211 = vector.load %arg12[%swap3A, %swap3A_209, %swap3A_210] : memref<1x8192x56xf32, #tpu.memory_space<vmem>>, vector<1x4096x56xf32>
      %swap3A_212 = vector.shape_cast %swap3A_211 : vector<1x4096x56xf32> to vector<4096x56xf32>
      %swap3A_213 = vector.shape_cast %transpose3A : vector<4096x56xf32> to vector<1x4096x56xf32>
      tpu.vector_store %arg12[%swap3A, %swap3A_209, %swap3A_210], %swap3A_213 {strides = array<i32>} : memref<1x8192x56xf32, #tpu.memory_space<vmem>>, vector<1x4096x56xf32>,
      %get3A_214 = arith.constant 0 : index
      %get3A_215 = arith.constant 0 : index
      %get3A_216 = vector.load %arg8[%get3A_214, %get3A_215] : memref<216x384xbf16, #tpu.memory_space<vmem>>, vector<216x384xbf16>
      %get3A_217 = arith.constant 0 : index
      %get3A_218 = arith.constant 0 : index
      %get3A_219 = arith.constant 0 : index
      %get3A_220 = arith.constant 0 : index
      %get3A_221 = vector.load %arg4[%get3A_217, %get3A_218, %get3A_219, %get3A_220] : memref<1x32x32x384xf32, #tpu.memory_space<vmem>>, vector<1x32x32x384xf32>
      %get3A_222 = vector.shape_cast %get3A_221 : vector<1x32x32x384xf32> to vector<32x32x384xf32>
      %reshape3A_223 = vector.shape_cast %get3A_222 : vector<32x32x384xf32> to vector<1024x384xf32>
      %convert_element_type3A_224 = arith.truncf %reshape3A_223 : vector<1024x384xf32> to vector<1024x384xbf16>
      %dot_general3A_225 = arith.constant dense<0.000000e+00> : vector<216x1024xf32>
      %dot_general3A_226 = tpu.matmul %get3A_216, %convert_element_type3A_224, %dot_general3A_225 {dimension_numbers = #tpu.dot_dimension_numbers<[1], [1], [0], [0], [0, 0, 1, 0], [], []>, transpose_lhs_hint = false} : vector<216x384xbf16>, vector<1024x384xbf16>, vector<216x1024xf32> -> vector<216x1024xf32>
      %iota3A_227 = tpu.iota {dimensions = array<i32: 1>} : vector<1x1024xi32>
      %and3A_228 = arith.constant 31 : i32
      %and3A_229 = vector.broadcast %and3A_228 : i32 to vector<1x1024xi32>
      %and3A_230 = arith.andi %iota3A_227, %and3A_229 : vector<1x1024xi32>
      %slice3A_231 = vector.extract_strided_slice %get3A_1 {offsets = [0, 2], sizes = [24, 1], strides = [1, 1]} : vector<32x8xf32> to vector<24x1xf32>
      %broadcast_in_dim3A_232 = vector.shape_cast %slice3A_231 : vector<24x1xf32> to vector<24x1xf32>
      %broadcast_in_dim3A_233 = vector.broadcast %broadcast_in_dim3A_232 : vector<24x1xf32> to vector<24x1024xf32>
      %slice3A_234 = vector.extract_strided_slice %dot_general3A_226 {offsets = [0, 0], sizes = [24, 1024], strides = [1, 1]} : vector<216x1024xf32> to vector<24x1024xf32>
      %slice3A_235 = vector.extract_strided_slice %slice3A_234 {offsets = [0, 991], sizes = [24, 33], strides = [1, 1]} : vector<24x1024xf32> to vector<24x33xf32>
      %slice3A_236 = vector.extract_strided_slice %slice3A_234 {offsets = [0, 0], sizes = [24, 991], strides = [1, 1]} : vector<24x1024xf32> to vector<24x991xf32>
      %concatenate3A_237 = tpu.concatenate %slice3A_235, %slice3A_236 in 1 : vector<24x33xf32>, vector<24x991xf32> -> vector<24x1024xf32>
      %gt3A_238 = arith.constant 0 : i32
      %gt3A_239 = vector.broadcast %gt3A_238 : i32 to vector<1x1024xi32>
      %gt3A_240 = arith.cmpi sgt, %and3A_230, %gt3A_239 : vector<1x1024xi32>
      %ge3A_241 = arith.constant 32 : i32
      %ge3A_242 = vector.broadcast %ge3A_241 : i32 to vector<1x1024xi32>
      %ge3A_243 = arith.cmpi sge, %iota3A_227, %ge3A_242 : vector<1x1024xi32>
      %and3A_244 = arith.andi %gt3A_240, %ge3A_243 : vector<1x1024xi1>
      %jit3A_245 = arith.constant 0.000000e+00 : f32
      %broadcast_in_dim3A_246 = vector.shape_cast %and3A_244 : vector<1x1024xi1> to vector<1x1024xi1>
      %broadcast_in_dim3A_247 = vector.broadcast %broadcast_in_dim3A_246 : vector<1x1024xi1> to vector<24x1024xi1>
      %broadcast_in_dim3A_248 = vector.broadcast %jit3A_245 : f32 to vector<24x1024xf32>
      %select_n3A_249 = arith.select %broadcast_in_dim3A_247, %concatenate3A_237, %broadcast_in_dim3A_248 : vector<24x1024xi1>, vector<24x1024xf32>
      %add3A_250 = arith.addf %broadcast_in_dim3A_233, %select_n3A_249 : vector<24x1024xf32>
      %slice3A_251 = vector.extract_strided_slice %dot_general3A_226 {offsets = [24, 0], sizes = [24, 1024], strides = [1, 1]} : vector<216x1024xf32> to vector<24x1024xf32>
      %slice3A_252 = vector.extract_strided_slice %slice3A_251 {offsets = [0, 992], sizes = [24, 32], strides = [1, 1]} : vector<24x1024xf32> to vector<24x32xf32>
      %slice3A_253 = vector.extract_strided_slice %slice3A_251 {offsets = [0, 0], sizes = [24, 992], strides = [1, 1]} : vector<24x1024xf32> to vector<24x992xf32>
      %concatenate3A_254 = tpu.concatenate %slice3A_252, %slice3A_253 in 1 : vector<24x32xf32>, vector<24x992xf32> -> vector<24x1024xf32>
      %ge3A_255 = arith.constant 32 : i32
      %ge3A_256 = vector.broadcast %ge3A_255 : i32 to vector<1x1024xi32>
      %ge3A_257 = arith.cmpi sge, %iota3A_227, %ge3A_256 : vector<1x1024xi32>
      %jit3A_258 = arith.constant 0.000000e+00 : f32
      %broadcast_in_dim3A_259 = vector.shape_cast %ge3A_257 : vector<1x1024xi1> to vector<1x1024xi1>
      %broadcast_in_dim3A_260 = vector.broadcast %broadcast_in_dim3A_259 : vector<1x1024xi1> to vector<24x1024xi1>
      %broadcast_in_dim3A_261 = vector.broadcast %jit3A_258 : f32 to vector<24x1024xf32>
      %select_n3A_262 = arith.select %broadcast_in_dim3A_260, %concatenate3A_254, %broadcast_in_dim3A_261 : vector<24x1024xi1>, vector<24x1024xf32>
      %add3A_263 = arith.addf %add3A_250, %select_n3A_262 : vector<24x1024xf32>
      %slice3A_264 = vector.extract_strided_slice %dot_general3A_226 {offsets = [48, 0], sizes = [24, 1024], strides = [1, 1]} : vector<216x1024xf32> to vector<24x1024xf32>
      %slice3A_265 = vector.extract_strided_slice %slice3A_264 {offsets = [0, 993], sizes = [24, 31], strides = [1, 1]} : vector<24x1024xf32> to vector<24x31xf32>
      %slice3A_266 = vector.extract_strided_slice %slice3A_264 {offsets = [0, 0], sizes = [24, 993], strides = [1, 1]} : vector<24x1024xf32> to vector<24x993xf32>
      %concatenate3A_267 = tpu.concatenate %slice3A_265, %slice3A_266 in 1 : vector<24x31xf32>, vector<24x993xf32> -> vector<24x1024xf32>
      %lt3A_268 = arith.constant 31 : i32
      %lt3A_269 = vector.broadcast %lt3A_268 : i32 to vector<1x1024xi32>
      %lt3A_270 = arith.cmpi slt, %and3A_230, %lt3A_269 : vector<1x1024xi32>
      %ge3A_271 = arith.constant 32 : i32
      %ge3A_272 = vector.broadcast %ge3A_271 : i32 to vector<1x1024xi32>
      %ge3A_273 = arith.cmpi sge, %iota3A_227, %ge3A_272 : vector<1x1024xi32>
      %and3A_274 = arith.andi %lt3A_270, %ge3A_273 : vector<1x1024xi1>
      %jit3A_275 = arith.constant 0.000000e+00 : f32
      %broadcast_in_dim3A_276 = vector.shape_cast %and3A_274 : vector<1x1024xi1> to vector<1x1024xi1>
      %broadcast_in_dim3A_277 = vector.broadcast %broadcast_in_dim3A_276 : vector<1x1024xi1> to vector<24x1024xi1>
      %broadcast_in_dim3A_278 = vector.broadcast %jit3A_275 : f32 to vector<24x1024xf32>
      %select_n3A_279 = arith.select %broadcast_in_dim3A_277, %concatenate3A_267, %broadcast_in_dim3A_278 : vector<24x1024xi1>, vector<24x1024xf32>
      %add3A_280 = arith.addf %add3A_263, %select_n3A_279 : vector<24x1024xf32>
      %slice3A_281 = vector.extract_strided_slice %dot_general3A_226 {offsets = [72, 0], sizes = [24, 1024], strides = [1, 1]} : vector<216x1024xf32> to vector<24x1024xf32>
      %slice3A_282 = vector.extract_strided_slice %slice3A_281 {offsets = [0, 1023], sizes = [24, 1], strides = [1, 1]} : vector<24x1024xf32> to vector<24x1xf32>
      %slice3A_283 = vector.extract_strided_slice %slice3A_281 {offsets = [0, 0], sizes = [24, 1023], strides = [1, 1]} : vector<24x1024xf32> to vector<24x1023xf32>
      %concatenate3A_284 = tpu.concatenate %slice3A_282, %slice3A_283 in 1 : vector<24x1xf32>, vector<24x1023xf32> -> vector<24x1024xf32>
      %gt3A_285 = arith.constant 0 : i32
      %gt3A_286 = vector.broadcast %gt3A_285 : i32 to vector<1x1024xi32>
      %gt3A_287 = arith.cmpi sgt, %and3A_230, %gt3A_286 : vector<1x1024xi32>
      %jit3A_288 = arith.constant 0.000000e+00 : f32
      %broadcast_in_dim3A_289 = vector.shape_cast %gt3A_287 : vector<1x1024xi1> to vector<1x1024xi1>
      %broadcast_in_dim3A_290 = vector.broadcast %broadcast_in_dim3A_289 : vector<1x1024xi1> to vector<24x1024xi1>
      %broadcast_in_dim3A_291 = vector.broadcast %jit3A_288 : f32 to vector<24x1024xf32>
      %select_n3A_292 = arith.select %broadcast_in_dim3A_290, %concatenate3A_284, %broadcast_in_dim3A_291 : vector<24x1024xi1>, vector<24x1024xf32>
      %add3A_293 = arith.addf %add3A_280, %select_n3A_292 : vector<24x1024xf32>
      %slice3A_294 = vector.extract_strided_slice %dot_general3A_226 {offsets = [96, 0], sizes = [24, 1024], strides = [1, 1]} : vector<216x1024xf32> to vector<24x1024xf32>
      %add3A_295 = arith.addf %add3A_293, %slice3A_294 : vector<24x1024xf32>
      %slice3A_296 = vector.extract_strided_slice %dot_general3A_226 {offsets = [120, 0], sizes = [24, 1024], strides = [1, 1]} : vector<216x1024xf32> to vector<24x1024xf32>
      %slice3A_297 = vector.extract_strided_slice %slice3A_296 {offsets = [0, 1], sizes = [24, 1023], strides = [1, 1]} : vector<24x1024xf32> to vector<24x1023xf32>
      %slice3A_298 = vector.extract_strided_slice %slice3A_296 {offsets = [0, 0], sizes = [24, 1], strides = [1, 1]} : vector<24x1024xf32> to vector<24x1xf32>
      %concatenate3A_299 = tpu.concatenate %slice3A_297, %slice3A_298 in 1 : vector<24x1023xf32>, vector<24x1xf32> -> vector<24x1024xf32>
      %lt3A_300 = arith.constant 31 : i32
      %lt3A_301 = vector.broadcast %lt3A_300 : i32 to vector<1x1024xi32>
      %lt3A_302 = arith.cmpi slt, %and3A_230, %lt3A_301 : vector<1x1024xi32>
      %jit3A_303 = arith.constant 0.000000e+00 : f32
      %broadcast_in_dim3A_304 = vector.shape_cast %lt3A_302 : vector<1x1024xi1> to vector<1x1024xi1>
      %broadcast_in_dim3A_305 = vector.broadcast %broadcast_in_dim3A_304 : vector<1x1024xi1> to vector<24x1024xi1>
      %broadcast_in_dim3A_306 = vector.broadcast %jit3A_303 : f32 to vector<24x1024xf32>
      %select_n3A_307 = arith.select %broadcast_in_dim3A_305, %concatenate3A_299, %broadcast_in_dim3A_306 : vector<24x1024xi1>, vector<24x1024xf32>
      %add3A_308 = arith.addf %add3A_295, %select_n3A_307 : vector<24x1024xf32>
      %slice3A_309 = vector.extract_strided_slice %dot_general3A_226 {offsets = [144, 0], sizes = [24, 1024], strides = [1, 1]} : vector<216x1024xf32> to vector<24x1024xf32>
      %slice3A_310 = vector.extract_strided_slice %slice3A_309 {offsets = [0, 31], sizes = [24, 993], strides = [1, 1]} : vector<24x1024xf32> to vector<24x993xf32>
      %slice3A_311 = vector.extract_strided_slice %slice3A_309 {offsets = [0, 0], sizes = [24, 31], strides = [1, 1]} : vector<24x1024xf32> to vector<24x31xf32>
      %concatenate3A_312 = tpu.concatenate %slice3A_310, %slice3A_311 in 1 : vector<24x993xf32>, vector<24x31xf32> -> vector<24x1024xf32>
      %gt3A_313 = arith.constant 0 : i32
      %gt3A_314 = vector.broadcast %gt3A_313 : i32 to vector<1x1024xi32>
      %gt3A_315 = arith.cmpi sgt, %and3A_230, %gt3A_314 : vector<1x1024xi32>
      %lt3A_316 = arith.constant 992 : i32
      %lt3A_317 = vector.broadcast %lt3A_316 : i32 to vector<1x1024xi32>
      %lt3A_318 = arith.cmpi slt, %iota3A_227, %lt3A_317 : vector<1x1024xi32>
      %and3A_319 = arith.andi %gt3A_315, %lt3A_318 : vector<1x1024xi1>
      %jit3A_320 = arith.constant 0.000000e+00 : f32
      %broadcast_in_dim3A_321 = vector.shape_cast %and3A_319 : vector<1x1024xi1> to vector<1x1024xi1>
      %broadcast_in_dim3A_322 = vector.broadcast %broadcast_in_dim3A_321 : vector<1x1024xi1> to vector<24x1024xi1>
      %broadcast_in_dim3A_323 = vector.broadcast %jit3A_320 : f32 to vector<24x1024xf32>
      %select_n3A_324 = arith.select %broadcast_in_dim3A_322, %concatenate3A_312, %broadcast_in_dim3A_323 : vector<24x1024xi1>, vector<24x1024xf32>
      %add3A_325 = arith.addf %add3A_308, %select_n3A_324 : vector<24x1024xf32>
      %slice3A_326 = vector.extract_strided_slice %dot_general3A_226 {offsets = [168, 0], sizes = [24, 1024], strides = [1, 1]} : vector<216x1024xf32> to vector<24x1024xf32>
      %slice3A_327 = vector.extract_strided_slice %slice3A_326 {offsets = [0, 32], sizes = [24, 992], strides = [1, 1]} : vector<24x1024xf32> to vector<24x992xf32>
      %slice3A_328 = vector.extract_strided_slice %slice3A_326 {offsets = [0, 0], sizes = [24, 32], strides = [1, 1]} : vector<24x1024xf32> to vector<24x32xf32>
      %concatenate3A_329 = tpu.concatenate %slice3A_327, %slice3A_328 in 1 : vector<24x992xf32>, vector<24x32xf32> -> vector<24x1024xf32>
      %lt3A_330 = arith.constant 992 : i32
      %lt3A_331 = vector.broadcast %lt3A_330 : i32 to vector<1x1024xi32>
      %lt3A_332 = arith.cmpi slt, %iota3A_227, %lt3A_331 : vector<1x1024xi32>
      %jit3A_333 = arith.constant 0.000000e+00 : f32
      %broadcast_in_dim3A_334 = vector.shape_cast %lt3A_332 : vector<1x1024xi1> to vector<1x1024xi1>
      %broadcast_in_dim3A_335 = vector.broadcast %broadcast_in_dim3A_334 : vector<1x1024xi1> to vector<24x1024xi1>
      %broadcast_in_dim3A_336 = vector.broadcast %jit3A_333 : f32 to vector<24x1024xf32>
      %select_n3A_337 = arith.select %broadcast_in_dim3A_335, %concatenate3A_329, %broadcast_in_dim3A_336 : vector<24x1024xi1>, vector<24x1024xf32>
      %add3A_338 = arith.addf %add3A_325, %select_n3A_337 : vector<24x1024xf32>
      %slice3A_339 = vector.extract_strided_slice %dot_general3A_226 {offsets = [192, 0], sizes = [24, 1024], strides = [1, 1]} : vector<216x1024xf32> to vector<24x1024xf32>
      %slice3A_340 = vector.extract_strided_slice %slice3A_339 {offsets = [0, 33], sizes = [24, 991], strides = [1, 1]} : vector<24x1024xf32> to vector<24x991xf32>
      %slice3A_341 = vector.extract_strided_slice %slice3A_339 {offsets = [0, 0], sizes = [24, 33], strides = [1, 1]} : vector<24x1024xf32> to vector<24x33xf32>
      %concatenate3A_342 = tpu.concatenate %slice3A_340, %slice3A_341 in 1 : vector<24x991xf32>, vector<24x33xf32> -> vector<24x1024xf32>
      %lt3A_343 = arith.constant 31 : i32
      %lt3A_344 = vector.broadcast %lt3A_343 : i32 to vector<1x1024xi32>
      %lt3A_345 = arith.cmpi slt, %and3A_230, %lt3A_344 : vector<1x1024xi32>
      %lt3A_346 = arith.constant 992 : i32
      %lt3A_347 = vector.broadcast %lt3A_346 : i32 to vector<1x1024xi32>
      %lt3A_348 = arith.cmpi slt, %iota3A_227, %lt3A_347 : vector<1x1024xi32>
      %and3A_349 = arith.andi %lt3A_345, %lt3A_348 : vector<1x1024xi1>
      %jit3A_350 = arith.constant 0.000000e+00 : f32
      %broadcast_in_dim3A_351 = vector.shape_cast %and3A_349 : vector<1x1024xi1> to vector<1x1024xi1>
      %broadcast_in_dim3A_352 = vector.broadcast %broadcast_in_dim3A_351 : vector<1x1024xi1> to vector<24x1024xi1>
      %broadcast_in_dim3A_353 = vector.broadcast %jit3A_350 : f32 to vector<24x1024xf32>
      %select_n3A_354 = arith.select %broadcast_in_dim3A_352, %concatenate3A_342, %broadcast_in_dim3A_353 : vector<24x1024xi1>, vector<24x1024xf32>
      %add3A_355 = arith.addf %add3A_338, %select_n3A_354 : vector<24x1024xf32>
      %slice3A_356 = vector.extract_strided_slice %add3A_355 {offsets = [0, 0], sizes = [8, 1024], strides = [1, 1]} : vector<24x1024xf32> to vector<8x1024xf32>
      %iota3A_357 = tpu.iota {dimensions = array<i32: 0>} : vector<8x1024xi32>
      %and3A_358 = arith.constant 1 : i32
      %and3A_359 = vector.broadcast %and3A_358 : i32 to vector<8x1024xi32>
      %and3A_360 = arith.andi %iota3A_357, %and3A_359 : vector<8x1024xi32>
      %eq3A_361 = arith.constant 0 : i32
      %eq3A_362 = vector.broadcast %eq3A_361 : i32 to vector<8x1024xi32>
      %eq3A_363 = arith.cmpi eq, %and3A_360, %eq3A_362 : vector<8x1024xi32>
      %slice3A_364 = vector.extract_strided_slice %slice3A_356 {offsets = [1, 0], sizes = [7, 1024], strides = [1, 1]} : vector<8x1024xf32> to vector<7x1024xf32>
      %slice3A_365 = vector.extract_strided_slice %slice3A_356 {offsets = [0, 0], sizes = [1, 1024], strides = [1, 1]} : vector<8x1024xf32> to vector<1x1024xf32>
      %concatenate3A_366 = tpu.concatenate %slice3A_364, %slice3A_365 in 0 : vector<7x1024xf32>, vector<1x1024xf32> -> vector<8x1024xf32>
      %slice3A_367 = vector.extract_strided_slice %slice3A_356 {offsets = [7, 0], sizes = [1, 1024], strides = [1, 1]} : vector<8x1024xf32> to vector<1x1024xf32>
      %slice3A_368 = vector.extract_strided_slice %slice3A_356 {offsets = [0, 0], sizes = [7, 1024], strides = [1, 1]} : vector<8x1024xf32> to vector<7x1024xf32>
      %concatenate3A_369 = tpu.concatenate %slice3A_367, %slice3A_368 in 0 : vector<1x1024xf32>, vector<7x1024xf32> -> vector<8x1024xf32>
      %select_n3A_370 = arith.select %eq3A_363, %concatenate3A_366, %concatenate3A_369 : vector<8x1024xi1>, vector<8x1024xf32>
      %sub3A_371 = arith.subf %slice3A_356, %select_n3A_370 : vector<8x1024xf32>
      %logistic3A_372 = arith.negf %sub3A_371 : vector<8x1024xf32>
      %logistic3A_373 = math.exp %logistic3A_372 : vector<8x1024xf32>
      %logistic3A_374 = arith.constant 1.000000e+00 : f32
      %logistic3A_375 = vector.broadcast %logistic3A_374 : f32 to vector<8x1024xf32>
      %logistic3A_376 = arith.addf %logistic3A_375, %logistic3A_373 : vector<8x1024xf32>
      %logistic3A_377 = arith.divf %logistic3A_375, %logistic3A_376 : vector<8x1024xf32>
      %iota3A_378 = tpu.iota {dimensions = array<i32: 1>} : vector<1x1024xi32>
      %and3A_379 = arith.constant 31 : i32
      %and3A_380 = vector.broadcast %and3A_379 : i32 to vector<1x1024xi32>
      %and3A_381 = arith.andi %iota3A_378, %and3A_380 : vector<1x1024xi32>
      %add3A_382 = arith.constant 0 : i32
      %add3A_383 = vector.broadcast %add3A_382 : i32 to vector<1x1024xi32>
      %add3A_384 = arith.addi %add3A_383, %iota3A_378 : vector<1x1024xi32>
      %shift_right_logical3A_385 = arith.constant 5 : i32
      %shift_right_logical3A_386 = vector.broadcast %shift_right_logical3A_385 : i32 to vector<1x1024xi32>
      %shift_right_logical3A_387 = arith.shrui %add3A_384, %shift_right_logical3A_386 : vector<1x1024xi32>
      %convert_element_type3A_388 = arith.sitofp %and3A_381 : vector<1x1024xi32> to vector<1x1024xf32>
      %add3A_389 = arith.constant 5.000000e-01 : f32
      %add3A_390 = vector.broadcast %add3A_389 : f32 to vector<1x1024xf32>
      %add3A_391 = arith.addf %convert_element_type3A_388, %add3A_390 : vector<1x1024xf32>
      %mul3A_392 = arith.constant 3.125000e-02 : f32
      %mul3A_393 = vector.broadcast %mul3A_392 : f32 to vector<1x1024xf32>
      %mul3A_394 = arith.mulf %add3A_391, %mul3A_393 : vector<1x1024xf32>
      %convert_element_type3A_395 = arith.sitofp %shift_right_logical3A_387 : vector<1x1024xi32> to vector<1x1024xf32>
      %add3A_396 = arith.constant 5.000000e-01 : f32
      %add3A_397 = vector.broadcast %add3A_396 : f32 to vector<1x1024xf32>
      %add3A_398 = arith.addf %convert_element_type3A_395, %add3A_397 : vector<1x1024xf32>
      %mul3A_399 = arith.constant 3.125000e-02 : f32
      %mul3A_400 = vector.broadcast %mul3A_399 : f32 to vector<1x1024xf32>
      %mul3A_401 = arith.mulf %add3A_398, %mul3A_400 : vector<1x1024xf32>
      %slice3A_402 = vector.extract_strided_slice %logistic3A_377 {offsets = [0, 0], sizes = [2, 1024], strides = [1, 1]} : vector<8x1024xf32> to vector<2x1024xf32>
      %slice3A_403 = vector.extract_strided_slice %add3A_355 {offsets = [8, 0], sizes = [4, 1024], strides = [1, 1]} : vector<24x1024xf32> to vector<4x1024xf32>
      %slice3A_404 = vector.extract_strided_slice %get3A_4 {offsets = [8, 2], sizes = [6, 1], strides = [1, 1]} : vector<64x8xf32> to vector<6x1xf32>
      %broadcast_in_dim3A_405 = vector.shape_cast %slice3A_404 : vector<6x1xf32> to vector<6x1xf32>
      %broadcast_in_dim3A_406 = vector.broadcast %broadcast_in_dim3A_405 : vector<6x1xf32> to vector<6x1024xf32>
      %slice3A_407 = vector.extract_strided_slice %logistic3A_377 {offsets = [2, 0], sizes = [2, 1024], strides = [1, 1]} : vector<8x1024xf32> to vector<2x1024xf32>
      %slice3A_408 = vector.extract_strided_slice %add3A_355 {offsets = [12, 0], sizes = [4, 1024], strides = [1, 1]} : vector<24x1024xf32> to vector<4x1024xf32>
      %slice3A_409 = vector.extract_strided_slice %get3A_4 {offsets = [22, 2], sizes = [6, 1], strides = [1, 1]} : vector<64x8xf32> to vector<6x1xf32>
      %broadcast_in_dim3A_410 = vector.shape_cast %slice3A_409 : vector<6x1xf32> to vector<6x1xf32>
      %broadcast_in_dim3A_411 = vector.broadcast %broadcast_in_dim3A_410 : vector<6x1xf32> to vector<6x1024xf32>
      %slice3A_412 = vector.extract_strided_slice %logistic3A_377 {offsets = [4, 0], sizes = [2, 1024], strides = [1, 1]} : vector<8x1024xf32> to vector<2x1024xf32>
      %slice3A_413 = vector.extract_strided_slice %add3A_355 {offsets = [16, 0], sizes = [4, 1024], strides = [1, 1]} : vector<24x1024xf32> to vector<4x1024xf32>
      %slice3A_414 = vector.extract_strided_slice %get3A_4 {offsets = [36, 2], sizes = [6, 1], strides = [1, 1]} : vector<64x8xf32> to vector<6x1xf32>
      %broadcast_in_dim3A_415 = vector.shape_cast %slice3A_414 : vector<6x1xf32> to vector<6x1xf32>
      %broadcast_in_dim3A_416 = vector.broadcast %broadcast_in_dim3A_415 : vector<6x1xf32> to vector<6x1024xf32>
      %slice3A_417 = vector.extract_strided_slice %logistic3A_377 {offsets = [6, 0], sizes = [2, 1024], strides = [1, 1]} : vector<8x1024xf32> to vector<2x1024xf32>
      %slice3A_418 = vector.extract_strided_slice %add3A_355 {offsets = [20, 0], sizes = [4, 1024], strides = [1, 1]} : vector<24x1024xf32> to vector<4x1024xf32>
      %slice3A_419 = vector.extract_strided_slice %get3A_4 {offsets = [50, 2], sizes = [6, 1], strides = [1, 1]} : vector<64x8xf32> to vector<6x1xf32>
      %broadcast_in_dim3A_420 = vector.shape_cast %slice3A_419 : vector<6x1xf32> to vector<6x1xf32>
      %broadcast_in_dim3A_421 = vector.broadcast %broadcast_in_dim3A_420 : vector<6x1xf32> to vector<6x1024xf32>
      %concatenate3A_422 = tpu.concatenate %slice3A_402, %slice3A_403, %mul3A_394, %mul3A_401, %broadcast_in_dim3A_406, %slice3A_407, %slice3A_408, %mul3A_394, %mul3A_401, %broadcast_in_dim3A_411, %slice3A_412, %slice3A_413, %mul3A_394, %mul3A_401, %broadcast_in_dim3A_416, %slice3A_417, %slice3A_418, %mul3A_394, %mul3A_401, %broadcast_in_dim3A_421 in 0 : vector<2x1024xf32>, vector<4x1024xf32>, vector<1x1024xf32>, vector<1x1024xf32>, vector<6x1024xf32>, vector<2x1024xf32>, vector<4x1024xf32>, vector<1x1024xf32>, vector<1x1024xf32>, vector<6x1024xf32>, vector<2x1024xf32>, vector<4x1024xf32>, vector<1x1024xf32>, vector<1x1024xf32>, vector<6x1024xf32>, vector<2x1024xf32>, vector<4x1024xf32>, vector<1x1024xf32>, vector<1x1024xf32>, vector<6x1024xf32> -> vector<56x1024xf32>
      %transpose3A_423 = tpu.transpose %concatenate3A_422, [1, 0] : vector<56x1024xf32> -> vector<1024x56xf32>
      %swap3A_424 = arith.constant 0 : index
      %swap3A_425 = arith.constant 4096 : index
      %swap3A_426 = arith.constant 0 : index
      %swap3A_427 = vector.load %arg12[%swap3A_424, %swap3A_425, %swap3A_426] : memref<1x8192x56xf32, #tpu.memory_space<vmem>>, vector<1x1024x56xf32>
      %swap3A_428 = vector.shape_cast %swap3A_427 : vector<1x1024x56xf32> to vector<1024x56xf32>
      %swap3A_429 = vector.shape_cast %transpose3A_423 : vector<1024x56xf32> to vector<1x1024x56xf32>
      tpu.vector_store %arg12[%swap3A_424, %swap3A_425, %swap3A_426], %swap3A_429 {strides = array<i32>} : memref<1x8192x56xf32, #tpu.memory_space<vmem>>, vector<1x1024x56xf32>,
      %get3A_430 = arith.constant 0 : index
      %get3A_431 = arith.constant 0 : index
      %get3A_432 = vector.load %arg9[%get3A_430, %get3A_431] : memref<216x768xbf16, #tpu.memory_space<vmem>>, vector<216x768xbf16>
      %get3A_433 = arith.constant 0 : index
      %get3A_434 = arith.constant 0 : index
      %get3A_435 = arith.constant 0 : index
      %get3A_436 = arith.constant 0 : index
      %get3A_437 = vector.load %arg5[%get3A_433, %get3A_434, %get3A_435, %get3A_436] : memref<1x16x16x768xf32, #tpu.memory_space<vmem>>, vector<1x16x16x768xf32>
      %get3A_438 = vector.shape_cast %get3A_437 : vector<1x16x16x768xf32> to vector<16x16x768xf32>
      %reshape3A_439 = vector.shape_cast %get3A_438 : vector<16x16x768xf32> to vector<256x768xf32>
      %convert_element_type3A_440 = arith.truncf %reshape3A_439 : vector<256x768xf32> to vector<256x768xbf16>
      %dot_general3A_441 = arith.constant dense<0.000000e+00> : vector<216x256xf32>
      %dot_general3A_442 = tpu.matmul %get3A_432, %convert_element_type3A_440, %dot_general3A_441 {dimension_numbers = #tpu.dot_dimension_numbers<[1], [1], [0], [0], [0, 0, 1, 0], [], []>, transpose_lhs_hint = false} : vector<216x768xbf16>, vector<256x768xbf16>, vector<216x256xf32> -> vector<216x256xf32>
      %iota3A_443 = tpu.iota {dimensions = array<i32: 1>} : vector<1x256xi32>
      %and3A_444 = arith.constant 15 : i32
      %and3A_445 = vector.broadcast %and3A_444 : i32 to vector<1x256xi32>
      %and3A_446 = arith.andi %iota3A_443, %and3A_445 : vector<1x256xi32>
      %slice3A_447 = vector.extract_strided_slice %get3A_1 {offsets = [0, 3], sizes = [24, 1], strides = [1, 1]} : vector<32x8xf32> to vector<24x1xf32>
      %broadcast_in_dim3A_448 = vector.shape_cast %slice3A_447 : vector<24x1xf32> to vector<24x1xf32>
      %broadcast_in_dim3A_449 = vector.broadcast %broadcast_in_dim3A_448 : vector<24x1xf32> to vector<24x256xf32>
      %slice3A_450 = vector.extract_strided_slice %dot_general3A_442 {offsets = [0, 0], sizes = [24, 256], strides = [1, 1]} : vector<216x256xf32> to vector<24x256xf32>
      %slice3A_451 = vector.extract_strided_slice %slice3A_450 {offsets = [0, 239], sizes = [24, 17], strides = [1, 1]} : vector<24x256xf32> to vector<24x17xf32>
      %slice3A_452 = vector.extract_strided_slice %slice3A_450 {offsets = [0, 0], sizes = [24, 239], strides = [1, 1]} : vector<24x256xf32> to vector<24x239xf32>
      %concatenate3A_453 = tpu.concatenate %slice3A_451, %slice3A_452 in 1 : vector<24x17xf32>, vector<24x239xf32> -> vector<24x256xf32>
      %gt3A_454 = arith.constant 0 : i32
      %gt3A_455 = vector.broadcast %gt3A_454 : i32 to vector<1x256xi32>
      %gt3A_456 = arith.cmpi sgt, %and3A_446, %gt3A_455 : vector<1x256xi32>
      %ge3A_457 = arith.constant 16 : i32
      %ge3A_458 = vector.broadcast %ge3A_457 : i32 to vector<1x256xi32>
      %ge3A_459 = arith.cmpi sge, %iota3A_443, %ge3A_458 : vector<1x256xi32>
      %and3A_460 = arith.andi %gt3A_456, %ge3A_459 : vector<1x256xi1>
      %jit3A_461 = arith.constant 0.000000e+00 : f32
      %broadcast_in_dim3A_462 = vector.shape_cast %and3A_460 : vector<1x256xi1> to vector<1x256xi1>
      %broadcast_in_dim3A_463 = vector.broadcast %broadcast_in_dim3A_462 : vector<1x256xi1> to vector<24x256xi1>
      %broadcast_in_dim3A_464 = vector.broadcast %jit3A_461 : f32 to vector<24x256xf32>
      %select_n3A_465 = arith.select %broadcast_in_dim3A_463, %concatenate3A_453, %broadcast_in_dim3A_464 : vector<24x256xi1>, vector<24x256xf32>
      %add3A_466 = arith.addf %broadcast_in_dim3A_449, %select_n3A_465 : vector<24x256xf32>
      %slice3A_467 = vector.extract_strided_slice %dot_general3A_442 {offsets = [24, 0], sizes = [24, 256], strides = [1, 1]} : vector<216x256xf32> to vector<24x256xf32>
      %slice3A_468 = vector.extract_strided_slice %slice3A_467 {offsets = [0, 240], sizes = [24, 16], strides = [1, 1]} : vector<24x256xf32> to vector<24x16xf32>
      %slice3A_469 = vector.extract_strided_slice %slice3A_467 {offsets = [0, 0], sizes = [24, 240], strides = [1, 1]} : vector<24x256xf32> to vector<24x240xf32>
      %concatenate3A_470 = tpu.concatenate %slice3A_468, %slice3A_469 in 1 : vector<24x16xf32>, vector<24x240xf32> -> vector<24x256xf32>
      %ge3A_471 = arith.constant 16 : i32
      %ge3A_472 = vector.broadcast %ge3A_471 : i32 to vector<1x256xi32>
      %ge3A_473 = arith.cmpi sge, %iota3A_443, %ge3A_472 : vector<1x256xi32>
      %jit3A_474 = arith.constant 0.000000e+00 : f32
      %broadcast_in_dim3A_475 = vector.shape_cast %ge3A_473 : vector<1x256xi1> to vector<1x256xi1>
      %broadcast_in_dim3A_476 = vector.broadcast %broadcast_in_dim3A_475 : vector<1x256xi1> to vector<24x256xi1>
      %broadcast_in_dim3A_477 = vector.broadcast %jit3A_474 : f32 to vector<24x256xf32>
      %select_n3A_478 = arith.select %broadcast_in_dim3A_476, %concatenate3A_470, %broadcast_in_dim3A_477 : vector<24x256xi1>, vector<24x256xf32>
      %add3A_479 = arith.addf %add3A_466, %select_n3A_478 : vector<24x256xf32>
      %slice3A_480 = vector.extract_strided_slice %dot_general3A_442 {offsets = [48, 0], sizes = [24, 256], strides = [1, 1]} : vector<216x256xf32> to vector<24x256xf32>
      %slice3A_481 = vector.extract_strided_slice %slice3A_480 {offsets = [0, 241], sizes = [24, 15], strides = [1, 1]} : vector<24x256xf32> to vector<24x15xf32>
      %slice3A_482 = vector.extract_strided_slice %slice3A_480 {offsets = [0, 0], sizes = [24, 241], strides = [1, 1]} : vector<24x256xf32> to vector<24x241xf32>
      %concatenate3A_483 = tpu.concatenate %slice3A_481, %slice3A_482 in 1 : vector<24x15xf32>, vector<24x241xf32> -> vector<24x256xf32>
      %lt3A_484 = arith.constant 15 : i32
      %lt3A_485 = vector.broadcast %lt3A_484 : i32 to vector<1x256xi32>
      %lt3A_486 = arith.cmpi slt, %and3A_446, %lt3A_485 : vector<1x256xi32>
      %ge3A_487 = arith.constant 16 : i32
      %ge3A_488 = vector.broadcast %ge3A_487 : i32 to vector<1x256xi32>
      %ge3A_489 = arith.cmpi sge, %iota3A_443, %ge3A_488 : vector<1x256xi32>
      %and3A_490 = arith.andi %lt3A_486, %ge3A_489 : vector<1x256xi1>
      %jit3A_491 = arith.constant 0.000000e+00 : f32
      %broadcast_in_dim3A_492 = vector.shape_cast %and3A_490 : vector<1x256xi1> to vector<1x256xi1>
      %broadcast_in_dim3A_493 = vector.broadcast %broadcast_in_dim3A_492 : vector<1x256xi1> to vector<24x256xi1>
      %broadcast_in_dim3A_494 = vector.broadcast %jit3A_491 : f32 to vector<24x256xf32>
      %select_n3A_495 = arith.select %broadcast_in_dim3A_493, %concatenate3A_483, %broadcast_in_dim3A_494 : vector<24x256xi1>, vector<24x256xf32>
      %add3A_496 = arith.addf %add3A_479, %select_n3A_495 : vector<24x256xf32>
      %slice3A_497 = vector.extract_strided_slice %dot_general3A_442 {offsets = [72, 0], sizes = [24, 256], strides = [1, 1]} : vector<216x256xf32> to vector<24x256xf32>
      %slice3A_498 = vector.extract_strided_slice %slice3A_497 {offsets = [0, 255], sizes = [24, 1], strides = [1, 1]} : vector<24x256xf32> to vector<24x1xf32>
      %slice3A_499 = vector.extract_strided_slice %slice3A_497 {offsets = [0, 0], sizes = [24, 255], strides = [1, 1]} : vector<24x256xf32> to vector<24x255xf32>
      %concatenate3A_500 = tpu.concatenate %slice3A_498, %slice3A_499 in 1 : vector<24x1xf32>, vector<24x255xf32> -> vector<24x256xf32>
      %gt3A_501 = arith.constant 0 : i32
      %gt3A_502 = vector.broadcast %gt3A_501 : i32 to vector<1x256xi32>
      %gt3A_503 = arith.cmpi sgt, %and3A_446, %gt3A_502 : vector<1x256xi32>
      %jit3A_504 = arith.constant 0.000000e+00 : f32
      %broadcast_in_dim3A_505 = vector.shape_cast %gt3A_503 : vector<1x256xi1> to vector<1x256xi1>
      %broadcast_in_dim3A_506 = vector.broadcast %broadcast_in_dim3A_505 : vector<1x256xi1> to vector<24x256xi1>
      %broadcast_in_dim3A_507 = vector.broadcast %jit3A_504 : f32 to vector<24x256xf32>
      %select_n3A_508 = arith.select %broadcast_in_dim3A_506, %concatenate3A_500, %broadcast_in_dim3A_507 : vector<24x256xi1>, vector<24x256xf32>
      %add3A_509 = arith.addf %add3A_496, %select_n3A_508 : vector<24x256xf32>
      %slice3A_510 = vector.extract_strided_slice %dot_general3A_442 {offsets = [96, 0], sizes = [24, 256], strides = [1, 1]} : vector<216x256xf32> to vector<24x256xf32>
      %add3A_511 = arith.addf %add3A_509, %slice3A_510 : vector<24x256xf32>
      %slice3A_512 = vector.extract_strided_slice %dot_general3A_442 {offsets = [120, 0], sizes = [24, 256], strides = [1, 1]} : vector<216x256xf32> to vector<24x256xf32>
      %slice3A_513 = vector.extract_strided_slice %slice3A_512 {offsets = [0, 1], sizes = [24, 255], strides = [1, 1]} : vector<24x256xf32> to vector<24x255xf32>
      %slice3A_514 = vector.extract_strided_slice %slice3A_512 {offsets = [0, 0], sizes = [24, 1], strides = [1, 1]} : vector<24x256xf32> to vector<24x1xf32>
      %concatenate3A_515 = tpu.concatenate %slice3A_513, %slice3A_514 in 1 : vector<24x255xf32>, vector<24x1xf32> -> vector<24x256xf32>
      %lt3A_516 = arith.constant 15 : i32
      %lt3A_517 = vector.broadcast %lt3A_516 : i32 to vector<1x256xi32>
      %lt3A_518 = arith.cmpi slt, %and3A_446, %lt3A_517 : vector<1x256xi32>
      %jit3A_519 = arith.constant 0.000000e+00 : f32
      %broadcast_in_dim3A_520 = vector.shape_cast %lt3A_518 : vector<1x256xi1> to vector<1x256xi1>
      %broadcast_in_dim3A_521 = vector.broadcast %broadcast_in_dim3A_520 : vector<1x256xi1> to vector<24x256xi1>
      %broadcast_in_dim3A_522 = vector.broadcast %jit3A_519 : f32 to vector<24x256xf32>
      %select_n3A_523 = arith.select %broadcast_in_dim3A_521, %concatenate3A_515, %broadcast_in_dim3A_522 : vector<24x256xi1>, vector<24x256xf32>
      %add3A_524 = arith.addf %add3A_511, %select_n3A_523 : vector<24x256xf32>
      %slice3A_525 = vector.extract_strided_slice %dot_general3A_442 {offsets = [144, 0], sizes = [24, 256], strides = [1, 1]} : vector<216x256xf32> to vector<24x256xf32>
      %slice3A_526 = vector.extract_strided_slice %slice3A_525 {offsets = [0, 15], sizes = [24, 241], strides = [1, 1]} : vector<24x256xf32> to vector<24x241xf32>
      %slice3A_527 = vector.extract_strided_slice %slice3A_525 {offsets = [0, 0], sizes = [24, 15], strides = [1, 1]} : vector<24x256xf32> to vector<24x15xf32>
      %concatenate3A_528 = tpu.concatenate %slice3A_526, %slice3A_527 in 1 : vector<24x241xf32>, vector<24x15xf32> -> vector<24x256xf32>
      %gt3A_529 = arith.constant 0 : i32
      %gt3A_530 = vector.broadcast %gt3A_529 : i32 to vector<1x256xi32>
      %gt3A_531 = arith.cmpi sgt, %and3A_446, %gt3A_530 : vector<1x256xi32>
      %lt3A_532 = arith.constant 240 : i32
      %lt3A_533 = vector.broadcast %lt3A_532 : i32 to vector<1x256xi32>
      %lt3A_534 = arith.cmpi slt, %iota3A_443, %lt3A_533 : vector<1x256xi32>
      %and3A_535 = arith.andi %gt3A_531, %lt3A_534 : vector<1x256xi1>
      %jit3A_536 = arith.constant 0.000000e+00 : f32
      %broadcast_in_dim3A_537 = vector.shape_cast %and3A_535 : vector<1x256xi1> to vector<1x256xi1>
      %broadcast_in_dim3A_538 = vector.broadcast %broadcast_in_dim3A_537 : vector<1x256xi1> to vector<24x256xi1>
      %broadcast_in_dim3A_539 = vector.broadcast %jit3A_536 : f32 to vector<24x256xf32>
      %select_n3A_540 = arith.select %broadcast_in_dim3A_538, %concatenate3A_528, %broadcast_in_dim3A_539 : vector<24x256xi1>, vector<24x256xf32>
      %add3A_541 = arith.addf %add3A_524, %select_n3A_540 : vector<24x256xf32>
      %slice3A_542 = vector.extract_strided_slice %dot_general3A_442 {offsets = [168, 0], sizes = [24, 256], strides = [1, 1]} : vector<216x256xf32> to vector<24x256xf32>
      %slice3A_543 = vector.extract_strided_slice %slice3A_542 {offsets = [0, 16], sizes = [24, 240], strides = [1, 1]} : vector<24x256xf32> to vector<24x240xf32>
      %slice3A_544 = vector.extract_strided_slice %slice3A_542 {offsets = [0, 0], sizes = [24, 16], strides = [1, 1]} : vector<24x256xf32> to vector<24x16xf32>
      %concatenate3A_545 = tpu.concatenate %slice3A_543, %slice3A_544 in 1 : vector<24x240xf32>, vector<24x16xf32> -> vector<24x256xf32>
      %lt3A_546 = arith.constant 240 : i32
      %lt3A_547 = vector.broadcast %lt3A_546 : i32 to vector<1x256xi32>
      %lt3A_548 = arith.cmpi slt, %iota3A_443, %lt3A_547 : vector<1x256xi32>
      %jit3A_549 = arith.constant 0.000000e+00 : f32
      %broadcast_in_dim3A_550 = vector.shape_cast %lt3A_548 : vector<1x256xi1> to vector<1x256xi1>
      %broadcast_in_dim3A_551 = vector.broadcast %broadcast_in_dim3A_550 : vector<1x256xi1> to vector<24x256xi1>
      %broadcast_in_dim3A_552 = vector.broadcast %jit3A_549 : f32 to vector<24x256xf32>
      %select_n3A_553 = arith.select %broadcast_in_dim3A_551, %concatenate3A_545, %broadcast_in_dim3A_552 : vector<24x256xi1>, vector<24x256xf32>
      %add3A_554 = arith.addf %add3A_541, %select_n3A_553 : vector<24x256xf32>
      %slice3A_555 = vector.extract_strided_slice %dot_general3A_442 {offsets = [192, 0], sizes = [24, 256], strides = [1, 1]} : vector<216x256xf32> to vector<24x256xf32>
      %slice3A_556 = vector.extract_strided_slice %slice3A_555 {offsets = [0, 17], sizes = [24, 239], strides = [1, 1]} : vector<24x256xf32> to vector<24x239xf32>
      %slice3A_557 = vector.extract_strided_slice %slice3A_555 {offsets = [0, 0], sizes = [24, 17], strides = [1, 1]} : vector<24x256xf32> to vector<24x17xf32>
      %concatenate3A_558 = tpu.concatenate %slice3A_556, %slice3A_557 in 1 : vector<24x239xf32>, vector<24x17xf32> -> vector<24x256xf32>
      %lt3A_559 = arith.constant 15 : i32
      %lt3A_560 = vector.broadcast %lt3A_559 : i32 to vector<1x256xi32>
      %lt3A_561 = arith.cmpi slt, %and3A_446, %lt3A_560 : vector<1x256xi32>
      %lt3A_562 = arith.constant 240 : i32
      %lt3A_563 = vector.broadcast %lt3A_562 : i32 to vector<1x256xi32>
      %lt3A_564 = arith.cmpi slt, %iota3A_443, %lt3A_563 : vector<1x256xi32>
      %and3A_565 = arith.andi %lt3A_561, %lt3A_564 : vector<1x256xi1>
      %jit3A_566 = arith.constant 0.000000e+00 : f32
      %broadcast_in_dim3A_567 = vector.shape_cast %and3A_565 : vector<1x256xi1> to vector<1x256xi1>
      %broadcast_in_dim3A_568 = vector.broadcast %broadcast_in_dim3A_567 : vector<1x256xi1> to vector<24x256xi1>
      %broadcast_in_dim3A_569 = vector.broadcast %jit3A_566 : f32 to vector<24x256xf32>
      %select_n3A_570 = arith.select %broadcast_in_dim3A_568, %concatenate3A_558, %broadcast_in_dim3A_569 : vector<24x256xi1>, vector<24x256xf32>
      %add3A_571 = arith.addf %add3A_554, %select_n3A_570 : vector<24x256xf32>
      %slice3A_572 = vector.extract_strided_slice %add3A_571 {offsets = [0, 0], sizes = [8, 256], strides = [1, 1]} : vector<24x256xf32> to vector<8x256xf32>
      %iota3A_573 = tpu.iota {dimensions = array<i32: 0>} : vector<8x256xi32>
      %and3A_574 = arith.constant 1 : i32
      %and3A_575 = vector.broadcast %and3A_574 : i32 to vector<8x256xi32>
      %and3A_576 = arith.andi %iota3A_573, %and3A_575 : vector<8x256xi32>
      %eq3A_577 = arith.constant 0 : i32
      %eq3A_578 = vector.broadcast %eq3A_577 : i32 to vector<8x256xi32>
      %eq3A_579 = arith.cmpi eq, %and3A_576, %eq3A_578 : vector<8x256xi32>
      %slice3A_580 = vector.extract_strided_slice %slice3A_572 {offsets = [1, 0], sizes = [7, 256], strides = [1, 1]} : vector<8x256xf32> to vector<7x256xf32>
      %slice3A_581 = vector.extract_strided_slice %slice3A_572 {offsets = [0, 0], sizes = [1, 256], strides = [1, 1]} : vector<8x256xf32> to vector<1x256xf32>
      %concatenate3A_582 = tpu.concatenate %slice3A_580, %slice3A_581 in 0 : vector<7x256xf32>, vector<1x256xf32> -> vector<8x256xf32>
      %slice3A_583 = vector.extract_strided_slice %slice3A_572 {offsets = [7, 0], sizes = [1, 256], strides = [1, 1]} : vector<8x256xf32> to vector<1x256xf32>
      %slice3A_584 = vector.extract_strided_slice %slice3A_572 {offsets = [0, 0], sizes = [7, 256], strides = [1, 1]} : vector<8x256xf32> to vector<7x256xf32>
      %concatenate3A_585 = tpu.concatenate %slice3A_583, %slice3A_584 in 0 : vector<1x256xf32>, vector<7x256xf32> -> vector<8x256xf32>
      %select_n3A_586 = arith.select %eq3A_579, %concatenate3A_582, %concatenate3A_585 : vector<8x256xi1>, vector<8x256xf32>
      %sub3A_587 = arith.subf %slice3A_572, %select_n3A_586 : vector<8x256xf32>
      %logistic3A_588 = arith.negf %sub3A_587 : vector<8x256xf32>
      %logistic3A_589 = math.exp %logistic3A_588 : vector<8x256xf32>
      %logistic3A_590 = arith.constant 1.000000e+00 : f32
      %logistic3A_591 = vector.broadcast %logistic3A_590 : f32 to vector<8x256xf32>
      %logistic3A_592 = arith.addf %logistic3A_591, %logistic3A_589 : vector<8x256xf32>
      %logistic3A_593 = arith.divf %logistic3A_591, %logistic3A_592 : vector<8x256xf32>
      %iota3A_594 = tpu.iota {dimensions = array<i32: 1>} : vector<1x256xi32>
      %and3A_595 = arith.constant 15 : i32
      %and3A_596 = vector.broadcast %and3A_595 : i32 to vector<1x256xi32>
      %and3A_597 = arith.andi %iota3A_594, %and3A_596 : vector<1x256xi32>
      %add3A_598 = arith.constant 0 : i32
      %add3A_599 = vector.broadcast %add3A_598 : i32 to vector<1x256xi32>
      %add3A_600 = arith.addi %add3A_599, %iota3A_594 : vector<1x256xi32>
      %shift_right_logical3A_601 = arith.constant 4 : i32
      %shift_right_logical3A_602 = vector.broadcast %shift_right_logical3A_601 : i32 to vector<1x256xi32>
      %shift_right_logical3A_603 = arith.shrui %add3A_600, %shift_right_logical3A_602 : vector<1x256xi32>
      %convert_element_type3A_604 = arith.sitofp %and3A_597 : vector<1x256xi32> to vector<1x256xf32>
      %add3A_605 = arith.constant 5.000000e-01 : f32
      %add3A_606 = vector.broadcast %add3A_605 : f32 to vector<1x256xf32>
      %add3A_607 = arith.addf %convert_element_type3A_604, %add3A_606 : vector<1x256xf32>
      %mul3A_608 = arith.constant 6.250000e-02 : f32
      %mul3A_609 = vector.broadcast %mul3A_608 : f32 to vector<1x256xf32>
      %mul3A_610 = arith.mulf %add3A_607, %mul3A_609 : vector<1x256xf32>
      %convert_element_type3A_611 = arith.sitofp %shift_right_logical3A_603 : vector<1x256xi32> to vector<1x256xf32>
      %add3A_612 = arith.constant 5.000000e-01 : f32
      %add3A_613 = vector.broadcast %add3A_612 : f32 to vector<1x256xf32>
      %add3A_614 = arith.addf %convert_element_type3A_611, %add3A_613 : vector<1x256xf32>
      %mul3A_615 = arith.constant 6.250000e-02 : f32
      %mul3A_616 = vector.broadcast %mul3A_615 : f32 to vector<1x256xf32>
      %mul3A_617 = arith.mulf %add3A_614, %mul3A_616 : vector<1x256xf32>
      %slice3A_618 = vector.extract_strided_slice %logistic3A_593 {offsets = [0, 0], sizes = [2, 256], strides = [1, 1]} : vector<8x256xf32> to vector<2x256xf32>
      %slice3A_619 = vector.extract_strided_slice %add3A_571 {offsets = [8, 0], sizes = [4, 256], strides = [1, 1]} : vector<24x256xf32> to vector<4x256xf32>
      %slice3A_620 = vector.extract_strided_slice %get3A_4 {offsets = [8, 3], sizes = [6, 1], strides = [1, 1]} : vector<64x8xf32> to vector<6x1xf32>
      %broadcast_in_dim3A_621 = vector.shape_cast %slice3A_620 : vector<6x1xf32> to vector<6x1xf32>
      %broadcast_in_dim3A_622 = vector.broadcast %broadcast_in_dim3A_621 : vector<6x1xf32> to vector<6x256xf32>
      %slice3A_623 = vector.extract_strided_slice %logistic3A_593 {offsets = [2, 0], sizes = [2, 256], strides = [1, 1]} : vector<8x256xf32> to vector<2x256xf32>
      %slice3A_624 = vector.extract_strided_slice %add3A_571 {offsets = [12, 0], sizes = [4, 256], strides = [1, 1]} : vector<24x256xf32> to vector<4x256xf32>
      %slice3A_625 = vector.extract_strided_slice %get3A_4 {offsets = [22, 3], sizes = [6, 1], strides = [1, 1]} : vector<64x8xf32> to vector<6x1xf32>
      %broadcast_in_dim3A_626 = vector.shape_cast %slice3A_625 : vector<6x1xf32> to vector<6x1xf32>
      %broadcast_in_dim3A_627 = vector.broadcast %broadcast_in_dim3A_626 : vector<6x1xf32> to vector<6x256xf32>
      %slice3A_628 = vector.extract_strided_slice %logistic3A_593 {offsets = [4, 0], sizes = [2, 256], strides = [1, 1]} : vector<8x256xf32> to vector<2x256xf32>
      %slice3A_629 = vector.extract_strided_slice %add3A_571 {offsets = [16, 0], sizes = [4, 256], strides = [1, 1]} : vector<24x256xf32> to vector<4x256xf32>
      %slice3A_630 = vector.extract_strided_slice %get3A_4 {offsets = [36, 3], sizes = [6, 1], strides = [1, 1]} : vector<64x8xf32> to vector<6x1xf32>
      %broadcast_in_dim3A_631 = vector.shape_cast %slice3A_630 : vector<6x1xf32> to vector<6x1xf32>
      %broadcast_in_dim3A_632 = vector.broadcast %broadcast_in_dim3A_631 : vector<6x1xf32> to vector<6x256xf32>
      %slice3A_633 = vector.extract_strided_slice %logistic3A_593 {offsets = [6, 0], sizes = [2, 256], strides = [1, 1]} : vector<8x256xf32> to vector<2x256xf32>
      %slice3A_634 = vector.extract_strided_slice %add3A_571 {offsets = [20, 0], sizes = [4, 256], strides = [1, 1]} : vector<24x256xf32> to vector<4x256xf32>
      %slice3A_635 = vector.extract_strided_slice %get3A_4 {offsets = [50, 3], sizes = [6, 1], strides = [1, 1]} : vector<64x8xf32> to vector<6x1xf32>
      %broadcast_in_dim3A_636 = vector.shape_cast %slice3A_635 : vector<6x1xf32> to vector<6x1xf32>
      %broadcast_in_dim3A_637 = vector.broadcast %broadcast_in_dim3A_636 : vector<6x1xf32> to vector<6x256xf32>
      %concatenate3A_638 = tpu.concatenate %slice3A_618, %slice3A_619, %mul3A_610, %mul3A_617, %broadcast_in_dim3A_622, %slice3A_623, %slice3A_624, %mul3A_610, %mul3A_617, %broadcast_in_dim3A_627, %slice3A_628, %slice3A_629, %mul3A_610, %mul3A_617, %broadcast_in_dim3A_632, %slice3A_633, %slice3A_634, %mul3A_610, %mul3A_617, %broadcast_in_dim3A_637 in 0 : vector<2x256xf32>, vector<4x256xf32>, vector<1x256xf32>, vector<1x256xf32>, vector<6x256xf32>, vector<2x256xf32>, vector<4x256xf32>, vector<1x256xf32>, vector<1x256xf32>, vector<6x256xf32>, vector<2x256xf32>, vector<4x256xf32>, vector<1x256xf32>, vector<1x256xf32>, vector<6x256xf32>, vector<2x256xf32>, vector<4x256xf32>, vector<1x256xf32>, vector<1x256xf32>, vector<6x256xf32> -> vector<56x256xf32>
      %transpose3A_639 = tpu.transpose %concatenate3A_638, [1, 0] : vector<56x256xf32> -> vector<256x56xf32>
      %swap3A_640 = arith.constant 0 : index
      %swap3A_641 = arith.constant 5120 : index
      %swap3A_642 = arith.constant 0 : index
      %swap3A_643 = vector.load %arg12[%swap3A_640, %swap3A_641, %swap3A_642] : memref<1x8192x56xf32, #tpu.memory_space<vmem>>, vector<1x256x56xf32>
      %swap3A_644 = vector.shape_cast %swap3A_643 : vector<1x256x56xf32> to vector<256x56xf32>
      %swap3A_645 = vector.shape_cast %transpose3A_639 : vector<256x56xf32> to vector<1x256x56xf32>
      tpu.vector_store %arg12[%swap3A_640, %swap3A_641, %swap3A_642], %swap3A_645 {strides = array<i32>} : memref<1x8192x56xf32, #tpu.memory_space<vmem>>, vector<1x256x56xf32>,
    } else {
    }
    return
  }
  func.func @transform_0(%arg0: i32, %arg1: i32) -> (i32, i32, i32, i32) {
    %gt3A = arith.constant 1 : i32
    %gt3A_0 = arith.cmpi sgt, %arg1, %gt3A : i32
    %convert_element_type3A = arith.extui %gt3A_0 : i1 to i32
    %add3A = arith.addi %arg0, %convert_element_type3A : i32
    %min3A = arith.constant 7 : i32
    %min3A_1 = arith.minsi %add3A, %min3A : i32
    %c0_i32 = arith.constant 0 : i32
    %c0_i32_2 = arith.constant 0 : i32
    %c0_i32_3 = arith.constant 0 : i32
    %c0_i32_4 = arith.constant 0 : i32
    return %min3A_1, %c0_i32, %c0_i32_2, %c0_i32_3 : i32, i32, i32, i32
  }
  func.func @transform_1(%arg0: i32, %arg1: i32) -> (i32, i32, i32, i32) {
    %gt3A = arith.constant 2 : i32
    %gt3A_0 = arith.cmpi sgt, %arg1, %gt3A : i32
    %convert_element_type3A = arith.extui %gt3A_0 : i1 to i32
    %add3A = arith.addi %arg0, %convert_element_type3A : i32
    %min3A = arith.constant 7 : i32
    %min3A_1 = arith.minsi %add3A, %min3A : i32
    %c0_i32 = arith.constant 0 : i32
    %c0_i32_2 = arith.constant 0 : i32
    %c0_i32_3 = arith.constant 0 : i32
    %c0_i32_4 = arith.constant 0 : i32
    return %min3A_1, %c0_i32, %c0_i32_2, %c0_i32_3 : i32, i32, i32, i32
  }
  func.func @transform_2(%arg0: i32, %arg1: i32) -> (i32, i32, i32, i32) {
    %gt3A = arith.constant 2 : i32
    %gt3A_0 = arith.cmpi sgt, %arg1, %gt3A : i32
    %convert_element_type3A = arith.extui %gt3A_0 : i1 to i32
    %add3A = arith.addi %arg0, %convert_element_type3A : i32
    %min3A = arith.constant 7 : i32
    %min3A_1 = arith.minsi %add3A, %min3A : i32
    %c0_i32 = arith.constant 0 : i32
    %c0_i32_2 = arith.constant 0 : i32
    %c0_i32_3 = arith.constant 0 : i32
    %c0_i32_4 = arith.constant 0 : i32
    return %min3A_1, %c0_i32, %c0_i32_2, %c0_i32_3 : i32, i32, i32, i32
  }
  func.func @transform_3(%arg0: i32, %arg1: i32) -> (i32, i32, i32, i32) {
    %gt3A = arith.constant 2 : i32
    %gt3A_0 = arith.cmpi sgt, %arg1, %gt3A : i32
    %convert_element_type3A = arith.extui %gt3A_0 : i1 to i32
    %add3A = arith.addi %arg0, %convert_element_type3A : i32
    %min3A = arith.constant 7 : i32
    %min3A_1 = arith.minsi %add3A, %min3A : i32
    %c0_i32 = arith.constant 0 : i32
    %c0_i32_2 = arith.constant 0 : i32
    %c0_i32_3 = arith.constant 0 : i32
    %c0_i32_4 = arith.constant 0 : i32
    return %min3A_1, %c0_i32, %c0_i32_2, %c0_i32_3 : i32, i32, i32, i32
  }
  func.func @transform_4(%arg0: i32, %arg1: i32) -> (i32, i32) {
    %c0_i32 = arith.constant 0 : i32
    %c0_i32_0 = arith.constant 0 : i32
    %c0_i32_1 = arith.constant 0 : i32
    return %c0_i32, %c0_i32_0 : i32, i32
  }
  func.func @transform_5(%arg0: i32, %arg1: i32) -> (i32, i32) {
    %c0_i32 = arith.constant 0 : i32
    %c0_i32_0 = arith.constant 0 : i32
    %c0_i32_1 = arith.constant 0 : i32
    return %c0_i32, %c0_i32_0 : i32, i32
  }
  func.func @transform_6(%arg0: i32, %arg1: i32) -> (i32, i32) {
    %c0_i32 = arith.constant 0 : i32
    %c0_i32_0 = arith.constant 0 : i32
    %c0_i32_1 = arith.constant 0 : i32
    return %c0_i32, %c0_i32_0 : i32, i32
  }
  func.func @transform_7(%arg0: i32, %arg1: i32) -> (i32, i32) {
    %c0_i32 = arith.constant 0 : i32
    %c0_i32_0 = arith.constant 0 : i32
    %c0_i32_1 = arith.constant 0 : i32
    return %c0_i32, %c0_i32_0 : i32, i32
  }
  func.func @transform_8(%arg0: i32, %arg1: i32) -> (i32, i32) {
    %c0_i32 = arith.constant 0 : i32
    %c0_i32_0 = arith.constant 0 : i32
    %c0_i32_1 = arith.constant 0 : i32
    return %c0_i32, %c0_i32_0 : i32, i32
  }
  func.func @transform_9(%arg0: i32, %arg1: i32) -> (i32, i32) {
    %c0_i32 = arith.constant 0 : i32
    %c0_i32_0 = arith.constant 0 : i32
    %c0_i32_1 = arith.constant 0 : i32
    return %c0_i32, %c0_i32_0 : i32, i32
  }
  func.func @transform_10(%arg0: i32, %arg1: i32) -> (i32, i32, i32) {
    %c0_i32 = arith.constant 0 : i32
    %c0_i32_0 = arith.constant 0 : i32
    return %arg0, %arg1, %c0_i32 : i32, i32, i32
  }
}

</mosaic_0001>

<sc_bundles>
// kernel: sparse-core-data-format-call.cloned.1.call-start
scs
called_computation_lowered:
.L_overlay_start_0:
0x0: {  	s2 =	sld [smem:$0x3FD9]  }
0x1: {  	s3 =	sld [smem:$0x3FFE];
	_ =	sdelay $0x1  }
0x2: {  	s1 =	srdreg.scid  }
0x3: {  	s0 =	sand.u32 $0x1, s1  }
0x4: {  	s18 =	sshll.u32 s0, $0xA;
	s2 =	sadd.s32 s3, s2  }
0x5: {  	s2 =	sadd.s32 s2, s18  }
0x6: {  	[smem:$0x3FB4] =	sst s2  }
0x7: {  	_ = 	snop  }
0x8: {  	s2 =	sld [smem:$0x3FD0];
	(tm) =	ssettm $0x1  }
0x9: {  	s19 =	sld [smem:$0x3FFB];
	_ =	sdelay $0x3  }
0xa: {  	_ =	strace s19  }
0xb: {  	s3 =	sld [smem:$0x3FFC];
	_ =	sdelay $0x3  }
0xc: {  	_ =	strace s3  }
0xd: {  	s3 =	sld [smem:$0x3FFD];
	_ =	sdelay $0x3  }
0xe: {  	_ =	strace s3  }
0xf: {  	_ =	strace $0x8FFFFFFF  }
0x10: {  	s20 =	sld [smem:$0x3FDB];
	_ =	sdelay $0x1  }
0x11: {  	s4 =	simm.s32 $_scs_section_size  }
0x12: {  	s5 =	simm.s32 $_size__tile_overlayer_lowered;
	s6 =	simm.s32 $_tile_overlayer_lowered  }
0x13: {  	s23 =	simm.s32 $0x1BFF;
	s22 =	sshll.u32 s6, $0x1;
	s3 =	sadd.s32 s4, s20  }
0x14: {  	s7 =	simm.s32 $0x0;
	s21 =	sshll.u32 s5, $0x1;
	s5 =	sadd.s32 s22, s3  }
0x15: {  	[timem:s7], [sflag:s23] =	dma.local [hbm:s5], s21  }
0x16: {  	_ =	swait.ge [sflag:s23], s21  }
0x17: {  	s4 =	ssub.s32 $0x0, s21;
	[sflag:s23] =	ssyncset.done $0x0  }
0x18: {  	[sflag:s23] =	ssyncadd.s32 s4;
	_ =	sdelay $0x1  }
0x19: {  	s24 =	simm.s32 $0x1B8B  }
0x1a: {  	_ =	swait.ge [sflag:s24], $0x1  }
0x1b: {  	[sflag:s24] =	ssyncset.done $0x0  }
0x1c: {  	s26 =	simm.s32 $0x1B8E;
	s25 =	sld [smem:$0x3FFE];
	[sflag:s24] =	ssyncadd.s32 $0xFFFFFFFF  }
0x1d: {  	s27 =	simm.s32 $execute0_lowered;
	[smem:$0x3FD2] =	sst s26  }
0x1e: {  	s5 =	sshll.u32 s27, $0x1;
	_ =	strace $0x80000046;
	[dreg:$0x1] =	wrdreg $0xFFFFFFFF  }
0x1f: {  	s28 =	simm.s32 $_size_execute0_lowered;
	s3 =	sadd.s32 s3, s5;
	[dreg:$0x0] =	wrdreg $0x0  }
0x20: {  	s5 =	sshll.u32 s28, $0x1;
	[dreg:$0x2] =	wrdreg s3  }
0x21: {  	[dreg:$0x3] =	wrdreg s5  }
0x22: {  	[dreg:$0x4] =	wrdreg $0xC0  }
0x23: {  	_ =	task [dreg:s7], $0x5FFFF  }
0x24: {  	[dreg:$0x1] =	wrdreg $0xFFFFFFFF  }
0x25: {  	[dreg:$0x0] =	wrdreg $0x60  }
0x26: {  	[dreg:$0x2] =	wrdreg s25  }
0x27: {  	[dreg:$0x3] =	wrdreg s2  }
0x28: {  	[dreg:$0x4] =	wrdreg $0x9  }
0x29: {  	_ =	task.clear_ibuf [dreg:s7], $0x5FFFF;
	_ =	strace $0x90000046  }
0x2a: {  	s29 =	simm.s32 $0x9;
	_ =	strace $0x80000048  }
0x2b: {  	_ =	swait.ge [sflag:s29], $0x1  }
0x2c: {  	[sflag:s29] =	ssyncadd.s32 $0xFFFFFFFF  }
0x2d: {  	_ =	strace $0x90000048  }
0x2e: {  	_ =	sfence  }
0x2f: {  	s30 =	sld [smem:$0x0];
	_ =	sdelay $0x2  }
0x30: {  	s31 =	sshll.u32 s1, $0xD;
	s1 =	sshrl.u32 s1, $0x2  }
0x31: {  	s3 =	sand.u32 $0x4000, s31;
	s1 =	sadd.s32 s1, s30  }
0x32: {  	s0 =	sor.u32 s3, s0;
	s1 =	sshll.u32 s1, $0x11  }
0x33: {  	s0 =	sor.u32 s1, s0  }
0x34: {  	s0 =	sadd.s32 $0x8F2B, s0  }
0x35: {  	[sflag:s0] =	ssyncadd.remote.s32 $0x1  }
0x36: {  	_ =	sfence.sel $0xFFFF  }
0x37: {  	[dreg:$0x0] =	wrdreg $0xFFFFFFFF;
	(pc) =	sbr.abs _section_cstart, $3  }
0x38: {  	[dreg:$0x1] =	wrdreg $0xFFFFFFFF  }
0x39: {  	_ =	task.clear_ibuf [dreg:s7], $0x2FFFF;
	_ =	strace $0x9FFFFFFF  }
0x3a: {  	(tm) =	ssettm $0x7FFFFFFF  }
0x3b: {  	_ =	shalt  }
tec
execute0_lowered:
.L_overlay_start_1:
0x0: {  	(tag) =	ssettag $0x1  }
0x1: {  	s0 =	srdreg.scid;
	s13 =	rddreg [dreg:$0x0]  }
0x2: {  	s2 =	rddreg [dreg:$0x1];
	s1 =	stileid.u32  }
0x3: {  	s4 =	simm.s32 $0x1;
	s6 =	simm.s32 $0x2;
	s12 =	simm.s32 $0x1  }
0x4: {  	s21 =	simm.s32 $0x0;
	s15 =	simm.s32 $0xAA000;
	s22 =	simm.s32 $0x0  }
0x5: {  	s16 =	simm.s32 $0x0;
	s17 =	simm.s32 $0x0;
	s0 =	sshll.u32 s0, $0x4  }
0x6: {  	s19 =	simm.s32 $0x0;
	s20 =	simm.s32 $0x0;
	s3 =	sand.u32 $0x10, s0  }
0x7: {  	s5 =	sadd.s32 $0x4ABA00, s13;
	s8 =	sadd.s32 $0x8A7A00, s13;
	s3 =	sor.u32 s1, s3  }
0x8: {  	s9 =	sadd.s32 $0x9FBA00, s13;
	s10 =	sadd.s32 $0xB4FA00, s13;
	s3 =	sshll.u32 s3, $0x7  }
0x9: {  	s0 =	rddreg [dreg:$0x2];
	_ =	strace $0x80000047;
	s7 =	ssub.s32 $0x15400, s3  }
.Ltmp0:
0xa: {  	[sflag:s4] =	ssyncpa.u1 $0x0;
	s31 =	sand.u32 $0xF80, s7;
	(pc) =	sbr.rel .LBB1_1-.Ltmp0, $4  }
0xb: {  	[sflag:s6] =	ssyncpa.u1 $0x0;
	s6 =	sadd.s32 $0x5FFA00, s13;
	p0 =	sne.s32 s31, $0x0  }
0xc: {  	s18 =	smov.u32 s3;
	s11 =	sshrl.u32 s7, $0xC;
	s12 =	simm.s32 @!p0 $0x0  }
0xd: {  	s7 =	sadd.s32 $0x753A00, s13;
	p0 =	por $0x0, $0x0;
	s11 =	sadd.s32 s12, s11  }
0xe: {  	s12 =	sadd.s32 $0xCA3A00, s13;
	s13 =	sadd.s32 $0xDF7A00, s13;
	s14 =	sadd.s32 $0x1, s11  }
.LBB1_7:
0xf: {  	p1 =	slt.u32 s20, $0x2  }
0x10: {  	p2 =	sgt.s32 @!p1 s21, $0x15380  }
0x11: {  	s23 =	smov.u32 s21;
	s24 =	sshra.s32 @!p1 s21, $0x1F;
	p2 =	por !p2, p1  }
0x12: {  	s25 =	ssub.s32 @!p1 $0x0, s22;
	s21 =	sand.u32 @!p1 s24, s21;
	s23 =	simm.s32 @p2 $0x15380  }
0x13: {  	s22 =	smin.u32 @!p1 s22, s25;
	s21 =	ssub.s32 @!p1 s23, s21  }
0x14: {  	s25 =	smov.u32 s19;
	s23 =	ssub.s32 @!p1 $0x8, s22;
	s24 =	sadd.s32 @!p1 $0xFFFEAC80, s21  }
0x15: {  	p2 =	sgt.s32 @!p1 s22, $0x7;
	s22 =	smul.u32 @!p1 $0xE, s23;
	p3 =	sgt.s32 @!p1 s24, $0x7F  }
0x16: {  	p2 =	por !p2, p1;
	s21 =	ssub.s32 @!p1 $0x15400, s21;
	p3 =	por !p3, p1  }
0x17: {  	s23 =	sadd.s32 $0x1000, s18;
	s22 =	simm.s32 @!p2 $0x0;
	s21 =	simm.s32 @!p3 $0x0  }
0x18: {  	p2 =	sgt.s32 s23, $0x153FF;
	s21 =	smul.u32 @!p1 s22, s21;
	s22 =	sadd.s32 $0x8, s19  }
0x19: {  	s25 =	smov.u32 @p2 s22  }
0x1a: {  	s23 =	smov.u32 @p2 s3;
	p2 =	sgt.s32 s25, $0x7  }
0x1b: {  	s25 =	simm.s32 @p2 $0x0;
	p2 =	sne.s32 s20, s14  }
.Ltmp1:
0x1c: {  	p0 =	por !p0, !p0;
	s24 =	simm.s32 @!p1 $0x2;
	(pc) =	sbr.rel @!p2 .LBB1_8-.Ltmp1, $4  }
0x1d: {  	s22 =	smov.u32 s17;
	s17 =	smov.u32 s19;
	s21 =	sand.u32 @!p1 $0x3FFFFFFE, s21  }
0x1e: {  	_ =	swait.ge @!p1 [sflag:s24], s21;
	s26 =	ssub.s32 @!p1 $0x0, s21;
	s21 =	smov.u32 s16  }
0x1f: {  	s20 =	sadd.s32 $0x1, s20;
	s16 =	smov.u32 s18;
	[sflag:s24] =	ssyncset.done @!p1 $0x0  }
0x20: {  	s18 =	smov.u32 s23;
	s19 =	smov.u32 s25;
	[sflag:s24] =	ssyncadd.s32 @!p1 s26  }
.LBB1_1:
0x21: {  	p1 =	sge.u32 s20, s11  }
0x22: {  	s23 =	sand.u32 @!p1 $0x1FFFFFF, s18  }
0x23: {  	s24 =	smulhi.u32 @!p1 $0xC0C0C1, s23;
	_ =	sdelay $0x1  }
0x24: {  	s24 =	sshrl.u32 @!p1 s24, $0x8  }
0x25: {  	s24 =	smul.u32 @!p1 $0x15400, s24  }
0x26: {  	s25 =	sxor.u32 @!p1 $0xFFFFFFFF, s20;
	s26 =	smul.u32 @!p1 $0x154000, s19  }
0x27: {  	s25 =	sshll.u32 @!p1 s25, $0xE;
	s23 =	ssub.s32 @!p1 s23, s24  }
0x28: {  	s24 =	sand.u32 @!p1 $0x4000, s25;
	s25 =	sadd.s32 @!p1 s5, s26;
	s23 =	sshll.u32 @!p1 s23, $0x4  }
0x29: {  	s27 =	simm.s32 @!p1 $0x10;
	s28 =	simm.s32 @!p1 $0x80;
	s25 =	sadd.s32 @!p1 s23, s25  }
0x2a: {  	[tilespmem:s24], [sflag:$0x1] =	stream.strided.gather @!p1 [hbm4b:s25+s27], $0x800, s28, s27, $0x38;
	[tilespmem:$0x10100] =	vst v63  }
0x2b: {  	s25 =	sadd.s32 @!p1 s26, s6  }
0x2c: {  	s29 =	sor.u32 @!p1 $0x800, s24;
	s25 =	sadd.s32 @!p1 s23, s25  }
0x2d: {  	[tilespmem:s29], [sflag:$0x1] =	stream.strided.gather @!p1 [hbm4b:s25+s27], $0x800, s28, s27, $0x38;
	[tilespmem:$0x10100] =	vst v63  }
0x2e: {  	s25 =	sadd.s32 @!p1 s26, s7  }
0x2f: {  	s29 =	sor.u32 @!p1 $0x1000, s24;
	s25 =	sadd.s32 @!p1 s23, s25  }
0x30: {  	[tilespmem:s29], [sflag:$0x1] =	stream.strided.gather @!p1 [hbm4b:s25+s27], $0x800, s28, s27, $0x38;
	[tilespmem:$0x10100] =	vst v63  }
0x31: {  	s25 =	sadd.s32 @!p1 s26, s8  }
0x32: {  	s29 =	sor.u32 @!p1 $0x1800, s24;
	s25 =	sadd.s32 @!p1 s23, s25  }
0x33: {  	[tilespmem:s29], [sflag:$0x1] =	stream.strided.gather @!p1 [hbm4b:s25+s27], $0x800, s28, s27, $0x38;
	[tilespmem:$0x10100] =	vst v63  }
0x34: {  	s25 =	sadd.s32 @!p1 s26, s9  }
0x35: {  	s29 =	sor.u32 @!p1 $0x2000, s24;
	s25 =	sadd.s32 @!p1 s23, s25  }
0x36: {  	[tilespmem:s29], [sflag:$0x1] =	stream.strided.gather @!p1 [hbm4b:s25+s27], $0x800, s28, s27, $0x38;
	[tilespmem:$0x10100] =	vst v63  }
0x37: {  	s25 =	sadd.s32 @!p1 s26, s10  }
0x38: {  	s29 =	sor.u32 @!p1 $0x2800, s24;
	s25 =	sadd.s32 @!p1 s23, s25  }
0x39: {  	[tilespmem:s29], [sflag:$0x1] =	stream.strided.gather @!p1 [hbm4b:s25+s27], $0x800, s28, s27, $0x38;
	[tilespmem:$0x10100] =	vst v63  }
0x3a: {  	s25 =	sadd.s32 @!p1 s26, s12  }
0x3b: {  	s29 =	sor.u32 @!p1 $0x3000, s24;
	s25 =	sadd.s32 @!p1 s23, s25  }
0x3c: {  	[tilespmem:s29], [sflag:$0x1] =	stream.strided.gather @!p1 [hbm4b:s25+s27], $0x800, s28, s27, $0x38;
	[tilespmem:$0x10100] =	vst v63  }
0x3d: {  	s25 =	sadd.s32 @!p1 s26, s13  }
0x3e: {  	s31 =	sadd.s32 $0xFFFFFFFF, s20;
	s24 =	sor.u32 @!p1 $0x3800, s24;
	s23 =	sadd.s32 @!p1 s23, s25  }
0x3f: {  	[tilespmem:s24], [sflag:$0x1] =	stream.strided.gather @!p1 [hbm4b:s23+s27], $0x800, s28, s27, $0x38;
	[tilespmem:$0x10100] =	vst v63  }
0x40: {  	p1 =	sge.u32 s31, s11  }
.Ltmp2:
0x41: {  	_ = 	snop;
	(pc) =	sbr.rel @p1 .LBB1_7-.Ltmp2, $1  }
0x42: {  	_ =	sdelay $0x3  }
0x43: {  	s23 =	simm.s32 $0x1;
	s25 =	sand.u32 $0x1, s20  }
0x44: {  	_ =	swait.ge [sflag:s4], $0x4000;
	s23 =	simm.s32 @!p0 $0x0;
	s26 =	smul.u32 $0x10200, s25  }
0x45: {  	[sflag:s4] =	ssyncset.done $0x0;
	s24 =	smul.u32 $0x10200, s23  }
0x46: {  	s23 =	sshll.u32 s23, $0xE;
	[sflag:s4] =	ssyncadd.s32 $0xFFFFC000  }
0x47: {  	s25 =	sor.u32 $0x40, s23;
	s31 =	sshrl.u32 s26, $0x2;
	s24 =	sshrl.u32 s24, $0x2  }
0x48: {  	s26 =	simm.s32 $0x0;
	s23 =	sor.u32 $0x8000, s31;
	s24 =	sor.u32 $0x8007, s24  }
.LBB1_3:
0x49: {  	v3 =	vld [tilespmem:s25+$0x30]  }
0x4a: {  	v4 =	vld [tilespmem:s25+$0xFFFFFFD0]  }
0x4b: {  	v5 =	vld [tilespmem:s25+$0xFFFFFFE0]  }
0x4c: {  	v1 =	vld [tilespmem:s25+$0xFFFFFFF0]  }
0x4d: {  	v0 =	vld [tilespmem:s25+$0x0]  }
0x4e: {  	v2 =	vld [tilespmem:s25+$0x10];
	[tilespmem:s24+$0x0 ss:$0x408] =	vst.msk $0xffff, v3  }
0x4f: {  	[tilespmem:s24+$0xFFFFFFFA ss:$0x408] =	vst.msk $0xffff, v4;
	v4 =	vld [tilespmem:s25+$0x20]  }
0x50: {  	s28 =	simm.s32 $0x0;
	s29 =	sadd.s32 $0x80, s25;
	s27 =	smov.u32 s24;
	v3 =	vld [tilespmem:s25+$0xFFFFFFC0];
	[tilespmem:s24+$0xFFFFFFFB ss:$0x408] =	vst.msk $0xffff, v5  }
.LBB1_4:
0x51: {  	v5 =	vld [tilespmem:s29+$0x30];
	s28 =	sadd.s32 $0x8, s28;
	[tilespmem:s27+$0xFFFFFFFC ss:$0x408] =	vst.msk $0xffff, v1  }
0x52: {  	v6 =	vld [tilespmem:s29+$0xFFFFFFD0];
	p1 =	slt.u32 s28, $0x78;
	[tilespmem:s27+$0xFFFFFFFD ss:$0x408] =	vst.msk $0xffff, v0  }
0x53: {  	v7 =	vld [tilespmem:s29+$0xFFFFFFE0];
	[tilespmem:s27+$0xFFFFFFFE ss:$0x408] =	vst.msk $0xffff, v2  }
.Ltmp3:
0x54: {  	v1 =	vld [tilespmem:s29+$0xFFFFFFF0];
	[tilespmem:s27+$0xFFFFFFFF ss:$0x408] =	vst.msk $0xffff, v4;
	(pc) =	sbr.rel @p1 .LBB1_4-.Ltmp3, $4  }
0x55: {  	v0 =	vld [tilespmem:s29+$0x0];
	[tilespmem:s27+$0xFFFFFFF9 ss:$0x408] =	vst.msk $0xffff, v3;
	s27 =	sadd.s32 $0x8, s27  }
0x56: {  	v2 =	vld [tilespmem:s29+$0x10];
	[tilespmem:s27+$0x0 ss:$0x408] =	vst.msk $0xffff, v5  }
0x57: {  	[tilespmem:s27+$0xFFFFFFFA ss:$0x408] =	vst.msk $0xffff, v6;
	v4 =	vld [tilespmem:s29+$0x20]  }
0x58: {  	v3 =	vld [tilespmem:s29+$0xFFFFFFC0];
	[tilespmem:s27+$0xFFFFFFFB ss:$0x408] =	vst.msk $0xffff, v7;
	s29 =	sadd.s32 $0x80, s29  }
0x59: {  	s26 =	sadd.s32 $0x1, s26  }
0x5a: {  	p1 =	sne.s32 s26, $0x8  }
.Ltmp4:
0x5b: {  	[tilespmem:s27+$0xFFFFFFFC ss:$0x408] =	vst.msk $0xffff, v1;
	(pc) =	sbr.rel @p1 .LBB1_3-.Ltmp4, $4  }
0x5c: {  	[tilespmem:s27+$0xFFFFFFFD ss:$0x408] =	vst.msk $0xffff, v0  }
0x5d: {  	[tilespmem:s27+$0xFFFFFFFE ss:$0x408] =	vst.msk $0xffff, v2  }
0x5e: {  	[tilespmem:s27+$0xFFFFFFFF ss:$0x408] =	vst.msk $0xffff, v4  }
0x5f: {  	s24 =	sadd.s32 $0x81, s24;
	s25 =	sadd.s32 $0x800, s25;
	[tilespmem:s27+$0xFFFFFFF9 ss:$0x408] =	vst.msk $0xffff, v3  }
0x60: {  	s24 =	sshrl.u32 s17, $0x3  }
0x61: {  	s25 =	sshll.u32 s16, $0x3;
	s26 =	sshll.u32 s17, $0x7;
	s27 =	sand.u32 $0x7F, s16  }
0x62: {  	s31 =	ssub.s32 $0x0, s17;
	p1 =	sgt.s32 s16, $0x15380;
	s24 =	smul.u32 $0xAA000, s24  }
0x63: {  	s28 =	smov.u32 s16;
	s25 =	sand.u32 $0xFFFFFC00, s25;
	s26 =	sand.u32 $0x380, s26  }
0x64: {  	s28 =	simm.s32 @!p1 $0x15380;
	s29 =	sor.u32 s27, s26;
	s24 =	sadd.s32 s24, s25  }
0x65: {  	s25 =	sor.u32 s24, s29;
	s29 =	sshra.s32 s16, $0x1F;
	s24 =	smulhi.u32 $0xC0C0C0C1, s24  }
0x66: {  	s27 =	smin.u32 s17, s31;
	s30 =	smulhi.u32 $0xC0C0C0C1, s25;
	s29 =	sand.u32 s29, s16  }
0x67: {  	p1 =	sgt.s32 s27, $0x7;
	s28 =	ssub.s32 s28, s29  }
0x68: {  	s24 =	sshrl.u32 s24, $0x10;
	s26 =	sshrl.u32 s30, $0x10;
	s30 =	ssub.s32 $0x8, s27  }
0x69: {  	s31 =	sadd.s32 $0xFFFEAC80, s28;
	s28 =	ssub.s32 $0x15400, s28;
	s27 =	smul.u32 $0xE, s30  }
0x6a: {  	s24 =	sand.u32 $0x7, s24;
	p2 =	sgt.s32 s31, $0x7F;
	s26 =	smul.u32 $0x15400, s26  }
0x6b: {  	s24 =	smul.u32 $0x2A80, s24;
	s28 =	simm.s32 @p2 $0x0  }
.Ltmp5:
0x6c: {  	s27 =	simm.s32 @p1 $0x0;
	s25 =	ssub.s32 s25, s26;
	(pc) =	sbr.rel .LBB1_7-.Ltmp5, $4  }
0x6d: {  	s30 =	smul.u32 s27, s28;
	s31 =	sshrl.u32 s25, $0x3;
	s25 =	sand.u32 $0x7, s25  }
0x6e: {  	s27 =	sadd.s32 s2, s31;
	s25 =	sshll.u32 s25, $0x12  }
0x6f: {  	s26 =	sand.u32 $0x3FFFFFFE, s30;
	s24 =	sadd.s32 s24, s27;
	s25 =	sor.u32 $0x400, s25  }
0x70: {  	[hbm4b:s24+s25] =	stream.strided.scatter [tilespmem:s23], [sflag:$0x2], s26, s15, s25, $0x20;
	[tilespmem:$0x10100] =	vst v63  }
.LBB1_8:
0x71: {  	_ =	sfence.sel $0x180000  }
0x72: {  	s2 =	simm.s32 $0x1;
	[bflag:$0x0] =	sbarrier.arrive $0xFFFF  }
0x73: {  	s31 =	simm.s32 $0x2;
	[sflag:s2] =	ssyncpa.u1 $0x1  }
0x74: {  	[sflag:s31] =	ssyncpa.u1 $0x1  }
0x75: {  	p0 =	sne.s32 s1, $0x0;
	_ =	strace $0x90000047  }
0x76: {  	s0 =	sadd.s32 @!p0 $0x100000, s0;
	[bflag:$0x2] =	sbarrier.arrive $0xFFFF  }
0x77: {  	[sflag:s0] =	ssyncadd.tile.s32 @!p0 $0x1;
	_ =	shalt  }
.Lfunc_end1:
_tile_overlayer_lowered:
.L_overlay_start_2:
0x78: {  	(tag) =	ssettag $0x2  }
0x79: {  	s0 =	rddreg [dreg:$0x0];
	s2 =	stileid.u32  }
0x7a: {  	s1 =	rddreg [dreg:$0x1];
	p0 =	sne.s32 s2, $0x0  }
0x7b: {  	s3 =	rddreg [dreg:$0x2];
	[bflag:$0x3] =	sbarrier.arrive $0xFFFF;
	s2 =	simm.s32 @!p0 $0x1C01  }
0x7c: {  	[timem:s3], [sflag:s2] =	dma.local @!p0 [hbm:s0], s1  }
0x7d: {  	s0 =	simm.s32 @!p0 $0x1  }
0x7e: {  	_ =	swait.ge @!p0 [sflag:s0], s1  }
0x7f: {  	s1 =	ssub.s32 @!p0 $0x0, s1;
	[sflag:s0] =	ssyncset.done @!p0 $0x0  }
0x80: {  	[sflag:s0] =	ssyncadd.s32 @!p0 s1  }
0x81: {  	[bflag:$0x3] =	sbarrier.arrive $0xFFFF  }
0x82: {  	_ =	shalt  }

</sc_bundles>
